<compile_context>
chip_gen: v7x
topology: tpu7x:2x2x1
jax: 0.10.2.dev20260603
libtpu: 0.0.44.dev20260713+nightly
codegen_flags: <defaults>
</compile_context>

<pallas_src>
import functools

import jax
import jax.numpy as jnp
from jax import lax
from jax.experimental import pallas as pl
from jax.experimental.pallas import tpu as pltpu
from jax.experimental.pallas import tpu_sc as plsc

NUM_ITEMS = 8192
BATCH = 1024
SPLIT_A = 256
SPLIT_B = BATCH - SPLIT_A
ENC_H = 600
Z_DIM = 200
TAU = 0.2
EPS = 1e-12

_NC = 2
_NS = 16
_NW = _NC * _NS
_CH = 8

_BM = 128


def _sc_gather(gram, idx, nrows):
    rows_per_w = nrows // _NW
    nchunk = rows_per_w // _CH
    mesh = plsc.VectorSubcoreMesh(core_axis_name="c", subcore_axis_name="s")

    @functools.partial(
        pl.kernel,
        mesh=mesh,
        out_type=jax.ShapeDtypeStruct((nrows, NUM_ITEMS), jnp.float32),
        scratch_types=[
            pltpu.VMEM((rows_per_w,), jnp.int32),
            pltpu.VMEM((_CH, NUM_ITEMS), jnp.float32),
            pltpu.SemaphoreType.DMA,
        ],
    )
    def gather_kernel(table_hbm, idx_hbm, out_hbm, idx_v, buf, sem):
        wid = lax.axis_index("s") * _NC + lax.axis_index("c")
        base = wid * rows_per_w
        pltpu.sync_copy(idx_hbm.at[pl.ds(base, rows_per_w)], idx_v)
        for c in range(nchunk):
            pltpu.async_copy(
                table_hbm.at[idx_v.at[pl.ds(c * _CH, _CH)]], buf, sem).wait()
            pltpu.sync_copy(buf, out_hbm.at[pl.ds(base + c * _CH, _CH)])

    return gather_kernel(gram, idx)


_KCH = 1024


def _prep_body(w1T_ref, itemsT_ref, w1b_ref, itn_ref):
    w1b_ref[...] = jnp.transpose(w1T_ref[...].astype(jnp.bfloat16))
    it = itemsT_ref[...]
    s = jnp.sqrt(jnp.sum(it * it, axis=0, keepdims=True))
    itn_ref[...] = (it / jnp.maximum(s, EPS)).astype(jnp.bfloat16)


def _tc_prep(W1T, itemsT):
    return pl.pallas_call(
        _prep_body,
        grid=(NUM_ITEMS // _KCH,),
        in_specs=[
            pl.BlockSpec((ENC_H, _KCH), lambda i: (0, i)),
            pl.BlockSpec((Z_DIM, _KCH), lambda i: (0, i)),
        ],
        out_specs=[
            pl.BlockSpec((_KCH, ENC_H), lambda i: (i, 0)),
            pl.BlockSpec((Z_DIM, _KCH), lambda i: (0, i)),
        ],
        out_shape=[
            jax.ShapeDtypeStruct((NUM_ITEMS, ENC_H), jnp.bfloat16),
            jax.ShapeDtypeStruct((Z_DIM, NUM_ITEMS), jnp.bfloat16),
        ],
    )(W1T, itemsT)


def _make_tc_body(with_donors):
    def _tc_body(*refs):
        if with_donors:
            (gath_ref, rate_ref, w1b_ref, b1_ref, w2_ref, b2_ref, itn_ref,
             eps_ref, kl_in_ref, zd_ref, ld_ref,
             z_ref, logits_ref, klrow_ref, acc_ref) = refs
        else:
            (gath_ref, rate_ref, w1b_ref, b1_ref, w2_ref, b2_ref, itn_ref,
             eps_ref, kl_in_ref,
             z_ref, logits_ref, klrow_ref, acc_ref) = refs
        i = pl.program_id(0)

        vb = jnp.where(rate_ref[...] > 0, gath_ref[...], 0.0).astype(jnp.bfloat16)
        vf = vb.astype(jnp.float32)
        s1 = jnp.maximum(jnp.sum(vf, axis=1, keepdims=True), EPS)
        l2 = jnp.sqrt(jnp.sum(vf * vf, axis=1, keepdims=True)) / s1
        scale = 1.0 / (s1 * jnp.maximum(l2, EPS))

        pre = jnp.dot(vb, w1b_ref[...], preferred_element_type=jnp.float32)
        h = jnp.tanh(pre * scale + b1_ref[...])
        x2 = (jnp.dot(h, w2_ref[...], preferred_element_type=jnp.float32)
              + b2_ref[...])
        mean = x2[:, :Z_DIM]
        logvar = x2[:, Z_DIM:]
        std = jnp.exp(0.5 * logvar)
        z = mean + eps_ref[...] * std
        z_ref[...] = z

        zn = z * ((1.0 / TAU) /
                  jnp.maximum(jnp.sqrt(jnp.sum(z * z, axis=1, keepdims=True)),
                              EPS))
        logits_ref[...] = jnp.dot(zn.astype(jnp.bfloat16), itn_ref[...],
                                  preferred_element_type=jnp.float32)

        var = std * std
        klb = jnp.sum(mean * mean + var - 1.0 - logvar)
        prev = jnp.where(i == 0, 0.0, acc_ref[0, 0])
        total = prev + klb
        acc_ref[0, 0] = total
        klrow_ref[...] = (kl_in_ref[...]
                          + jnp.full((1, 1, 128), total * (0.5 / BATCH),
                                     jnp.float32))
    return _tc_body


def _tc_encoder_half(off, nblk, gathered, rating, W1b, b1, W2, b2, itn,
                     epsilon, kl_in, z_buf=None, logits_buf=None):
    with_donors = z_buf is not None
    in_specs = [
        pl.BlockSpec((_BM, NUM_ITEMS), lambda i: (i, 0)),
        pl.BlockSpec((_BM, NUM_ITEMS), lambda i: (i + off, 0)),
        pl.BlockSpec((NUM_ITEMS, ENC_H), lambda i: (0, 0)),
        pl.BlockSpec((1, ENC_H), lambda i: (0, 0)),
        pl.BlockSpec((ENC_H, 2 * Z_DIM), lambda i: (0, 0)),
        pl.BlockSpec((1, 2 * Z_DIM), lambda i: (0, 0)),
        pl.BlockSpec((Z_DIM, NUM_ITEMS), lambda i: (0, 0)),
        pl.BlockSpec((_BM, Z_DIM), lambda i: (i + off, 0)),
        pl.BlockSpec((1, 1, 128), lambda i: (0, 0, 0)),
    ]
    args = [gathered, rating, W1b, b1, W2, b2, itn, epsilon, kl_in]
    aliases = {}
    if with_donors:
        in_specs += [
            pl.BlockSpec(memory_space=pl.ANY),
            pl.BlockSpec(memory_space=pl.ANY),
        ]
        args += [z_buf, logits_buf]
        aliases = {9: 0, 10: 1}
    return pl.pallas_call(
        _make_tc_body(with_donors),
        grid=(nblk,),
        in_specs=in_specs,
        out_specs=[
            pl.BlockSpec((_BM, Z_DIM), lambda i: (i + off, 0)),
            pl.BlockSpec((_BM, NUM_ITEMS), lambda i: (i + off, 0)),
            pl.BlockSpec((1, 1, 128), lambda i: (0, 0, 0)),
        ],
        out_shape=[
            jax.ShapeDtypeStruct((BATCH, Z_DIM), jnp.float32),
            jax.ShapeDtypeStruct((BATCH, NUM_ITEMS), jnp.float32),
            jax.ShapeDtypeStruct((1, 1, 128), jnp.float32),
        ],
        scratch_shapes=[
            pltpu.SMEM((1, 1), jnp.float32),
        ],
        input_output_aliases=aliases,
    )(*args)


def kernel(rating_matrix_batch, rating_matrix_batch2, gram_matrix, W1, b1, W2,
           b2, items, epsilon):
    idx = rating_matrix_batch2
    gathered_a = _sc_gather(gram_matrix, idx[:SPLIT_A], SPLIT_A)
    gathered_b = _sc_gather(gram_matrix, idx[SPLIT_A:], SPLIT_B)
    W1b, itn = _tc_prep(W1.T, items.T)
    b1r = b1.reshape(1, ENC_H)
    b2r = b2.reshape(1, 2 * Z_DIM)
    kl0 = jnp.zeros((1, 1, 128), jnp.float32)
    z1, lg1, kl1 = _tc_encoder_half(
        0, SPLIT_A // _BM, gathered_a, rating_matrix_batch, W1b, b1r, W2, b2r,
        itn, epsilon, kl0)
    z, logits, klrows = _tc_encoder_half(
        SPLIT_A // _BM, SPLIT_B // _BM, gathered_b, rating_matrix_batch, W1b,
        b1r, W2, b2r, itn, epsilon, kl1, z1, lg1)
    kl = klrows[0, 0, 0]
    return z, logits, kl

# --- scband reference (transcript-rebuilt; emitter-appended) ---
"""Pipeline reference for scband-vkde-26680336843081 (READ-ONLY COPY).

The authoritative reference and input builder live on the scoring server;
editing this copy changes nothing except your own understanding.
"""

import jax, jax.numpy as jnp
import numpy as np

NUM_ITEMS = 8192
BATCH = 1024
ENC_H = 600
Z_DIM = 200
TAU = 0.2


def _l2norm(x, axis=1, eps=1e-12):
    n = jnp.sqrt(jnp.sum(x * x, axis=axis, keepdims=True))
    return x / jnp.maximum(n, eps)


def _l1norm(x, axis=1, eps=1e-12):
    n = jnp.sum(jnp.abs(x), axis=axis, keepdims=True)
    return x / jnp.maximum(n, eps)


def setup_inputs(seed: int = 0) -> dict:
    key = jax.random.key(seed)
    ks = jax.random.split(key, 10)
    rating_matrix_batch = jax.random.normal(ks[0], (BATCH, NUM_ITEMS), dtype=jnp.float32)
    rating_matrix_batch2 = jax.random.randint(ks[1], (BATCH,), 0, NUM_ITEMS, dtype=jnp.int64 if jax.config.jax_enable_x64 else jnp.int32).astype(jnp.int32)
    # item-item similarity (gram) matrix; original keeps only top-k entries -> sparse-ish
    u = jax.random.uniform(ks[2], (NUM_ITEMS, NUM_ITEMS), dtype=jnp.float32)
    gram_matrix = jnp.where(u > 0.995, u, 0.0)
    # encoder params: Linear(NUM_ITEMS, ENC_H) -> tanh -> Linear(ENC_H, 2*Z_DIM)
    W1 = jax.random.normal(ks[3], (NUM_ITEMS, ENC_H), dtype=jnp.float32) * (1.0 / np.sqrt(NUM_ITEMS))
    b1 = jnp.zeros((ENC_H,), dtype=jnp.float32)
    W2 = jax.random.normal(ks[4], (ENC_H, 2 * Z_DIM), dtype=jnp.float32) * (1.0 / np.sqrt(ENC_H))
    b2 = jnp.zeros((2 * Z_DIM,), dtype=jnp.float32)
    items = jax.random.normal(ks[5], (NUM_ITEMS, Z_DIM), dtype=jnp.float32) * (1.0 / np.sqrt(Z_DIM))
    epsilon = jax.random.normal(ks[6], (BATCH, Z_DIM), dtype=jnp.float32)
    return {
        "rating_matrix_batch": rating_matrix_batch,
        "rating_matrix_batch2": rating_matrix_batch2,
        "gram_matrix": gram_matrix,
        "W1": W1, "b1": b1, "W2": W2, "b2": b2,
        "items": items, "epsilon": epsilon,
    }


def reference(rating_matrix_batch, rating_matrix_batch2, gram_matrix, W1, b1, W2, b2, items, epsilon):
    # VKDE.forward_kernel (training path, dropout treated as identity for determinism)
    batch_input0 = _l2norm(rating_matrix_batch, axis=1)
    batch_input01 = jnp.where(batch_input0 > 0, 1.0, 0.0)
    # gather per-user sampled item similarity rows from gram matrix
    item_similars_sampled = jnp.take(gram_matrix, rating_matrix_batch2, axis=0)
    input_item_sampled = item_similars_sampled * batch_input01
    input_item_sampled = _l1norm(input_item_sampled, axis=1)
    batch_input = _l2norm(input_item_sampled, axis=1)
    # encoder
    h = jnp.tanh(batch_input @ W1 + b1)
    x = h @ W2 + b2
    mean = x[:, : x.shape[1] // 2]
    logvar = x[:, x.shape[1] // 2 :]
    stddev = jnp.exp(0.5 * logvar)
    z = mean + epsilon * stddev
    # normalized dot-product decoder (normalize_model2 = True)
    logits = (_l2norm(z, axis=1) @ _l2norm(items, axis=1).T) / TAU
    var_square = jnp.exp(logvar)
    kl = 0.5 * jnp.mean(jnp.sum(mean ** 2 + var_square - 1.0 - logvar, axis=-1))
    return (z, logits, kl)

if __name__ == "__main__":
    import jax
    _d = setup_inputs()
    print(jax.jit(kernel)(*tuple(_d.values())))

</pallas_src>

<mosaic_0001>
#map = affine_map<(d0, d1) -> (0, 0)>
#map1 = affine_map<(d0, d1) -> (0)>
module attributes {stable_mosaic.version = 14 : i64} {
  func.func @gather_kernel(%arg0: i32, %arg1: i32, %arg2: memref<8192x8192xf32, #tpu.memory_space<hbm>>, %arg3: memref<256xi32, #tpu.memory_space<hbm>>, %arg4: memref<256x8192xf32, #tpu.memory_space<hbm>>, %arg5: memref<8xi32, #tpu.memory_space<vmem>>, %arg6: memref<8x8192xf32, #tpu.memory_space<vmem>>, %arg7: memref<!tpu.dma_semaphore, #tpu.memory_space<semaphore_mem>>) attributes {dimension_semantics = [#tpu.dimension_semantics<core_parallel>, #tpu.dimension_semantics<subcore_parallel>], iteration_bounds = array<i64: 2, 16>, scalar_prefetch = 0 : i64, scratch_operands = 3 : i64, tpu.core_type = #tpu.core_type<sc_vector_subcore>, window_params = [{transform_indices = #map}, {transform_indices = #map1}, {transform_indices = #map}]} {
    %mul3A = arith.constant 2 : i32
    %mul3A_0 = arith.muli %arg1, %mul3A : i32
    %add3A = arith.addi %mul3A_0, %arg0 : i32
    %mul3A_1 = arith.constant 8 : i32
    %mul3A_2 = arith.muli %add3A, %mul3A_1 : i32
    "tpu.region"() ({
      %run_scoped3A = tpu.sem_alloc : memref<!tpu.dma_semaphore, #tpu.memory_space<semaphore_mem>>
      %dma_start3A_13 = tpu.memref_slice %arg3[%mul3A_2] : memref<256xi32, #tpu.memory_space<hbm>> -> memref<8xi32, #tpu.memory_space<hbm>>
      %dma_start3A_14 = tpu.memref_slice %arg3[%mul3A_2] : memref<256xi32, #tpu.memory_space<hbm>> -> memref<8xi32, #tpu.memory_space<hbm>>
      tpu.enqueue_dma source(%dma_start3A_14 : memref<8xi32, #tpu.memory_space<hbm>>) target(%arg5 : memref<8xi32, #tpu.memory_space<vmem>>) target_semaphore(%run_scoped3A : memref<!tpu.dma_semaphore, #tpu.memory_space<semaphore_mem>>)
      %dma_wait3A_15 = tpu.memref_slice %arg3[%mul3A_2] : memref<256xi32, #tpu.memory_space<hbm>> -> memref<8xi32, #tpu.memory_space<hbm>>
      %dma_wait3A_16 = tpu.memref_slice %arg3[%mul3A_2] : memref<256xi32, #tpu.memory_space<hbm>> -> memref<8xi32, #tpu.memory_space<hbm>>
      tpu.wait_dma2 semaphore(%run_scoped3A : memref<!tpu.dma_semaphore, #tpu.memory_space<semaphore_mem>>) src(%dma_wait3A_16 : memref<8xi32, #tpu.memory_space<hbm>>) dst(%arg5 : memref<8xi32, #tpu.memory_space<vmem>>)
      tpu.yield
    }) : () -> ()
    %dma_start3A = arith.constant 0 : i32
    %dma_start3A_3 = tpu.memref_slice %arg5[%dma_start3A] : memref<8xi32, #tpu.memory_space<vmem>> -> memref<8xi32, #tpu.memory_space<vmem>>
    %dma_start3A_4 = arith.constant 0 : i32
    %dma_start3A_5 = arith.constant 0 : i32
    %dma_start3A_6 = tpu.memref_slice %arg2[%dma_start3A_4, %dma_start3A_5] : memref<8192x8192xf32, #tpu.memory_space<hbm>> -> memref<8192x8192xf32, #tpu.memory_space<hbm>>
    tpu.enqueue_indirect_dma source(%dma_start3A_6 : memref<8192x8192xf32, #tpu.memory_space<hbm>>) target(%arg6 : memref<8x8192xf32, #tpu.memory_space<vmem>>) offsets(%dma_start3A_3 : memref<8xi32, #tpu.memory_space<vmem>>) semaphore(%arg7 : memref<!tpu.dma_semaphore, #tpu.memory_space<semaphore_mem>>)
    %dma_wait3A = arith.constant 0 : i32
    %dma_wait3A_7 = tpu.memref_slice %arg5[%dma_wait3A] : memref<8xi32, #tpu.memory_space<vmem>> -> memref<8xi32, #tpu.memory_space<vmem>>
    %dma_wait3A_8 = arith.constant 0 : i32
    %dma_wait3A_9 = arith.constant 0 : i32
    %dma_wait3A_10 = tpu.memref_slice %arg2[%dma_wait3A_8, %dma_wait3A_9] : memref<8192x8192xf32, #tpu.memory_space<hbm>> -> memref<8192x8192xf32, #tpu.memory_space<hbm>>
    tpu.wait_indirect_dma semaphore(%arg7 : memref<!tpu.dma_semaphore, #tpu.memory_space<semaphore_mem>>) src(%dma_wait3A_10 : memref<8192x8192xf32, #tpu.memory_space<hbm>>) dst(%arg6 : memref<8x8192xf32, #tpu.memory_space<vmem>>)
    %add3A_11 = arith.constant 0 : i32
    %add3A_12 = arith.addi %mul3A_2, %add3A_11 : i32
    "tpu.region"() ({
      %run_scoped3A = tpu.sem_alloc : memref<!tpu.dma_semaphore, #tpu.memory_space<semaphore_mem>>
      %dma_start3A_13 = arith.constant 0 : i32
      %dma_start3A_14 = tpu.memref_slice %arg4[%add3A_12, %dma_start3A_13] : memref<256x8192xf32, #tpu.memory_space<hbm>> -> memref<8x8192xf32, #tpu.memory_space<hbm>>
      %dma_start3A_15 = arith.constant 0 : i32
      %dma_start3A_16 = tpu.memref_slice %arg4[%add3A_12, %dma_start3A_15] : memref<256x8192xf32, #tpu.memory_space<hbm>> -> memref<8x8192xf32, #tpu.memory_space<hbm>>
      tpu.enqueue_dma source(%arg6 : memref<8x8192xf32, #tpu.memory_space<vmem>>) target(%dma_start3A_16 : memref<8x8192xf32, #tpu.memory_space<hbm>>) target_semaphore(%run_scoped3A : memref<!tpu.dma_semaphore, #tpu.memory_space<semaphore_mem>>)
      %dma_wait3A_17 = arith.constant 0 : i32
      %dma_wait3A_18 = tpu.memref_slice %arg4[%add3A_12, %dma_wait3A_17] : memref<256x8192xf32, #tpu.memory_space<hbm>> -> memref<8x8192xf32, #tpu.memory_space<hbm>>
      %dma_wait3A_19 = arith.constant 0 : i32
      %dma_wait3A_20 = tpu.memref_slice %arg4[%add3A_12, %dma_wait3A_19] : memref<256x8192xf32, #tpu.memory_space<hbm>> -> memref<8x8192xf32, #tpu.memory_space<hbm>>
      tpu.wait_dma2 semaphore(%run_scoped3A : memref<!tpu.dma_semaphore, #tpu.memory_space<semaphore_mem>>) src(%arg6 : memref<8x8192xf32, #tpu.memory_space<vmem>>) dst(%dma_wait3A_20 : memref<8x8192xf32, #tpu.memory_space<hbm>>)
      tpu.yield
    }) : () -> ()
    return
  }
}

#map = affine_map<(d0, d1) -> (0, 0)>
#map1 = affine_map<(d0, d1) -> (0)>
module attributes {stable_mosaic.version = 14 : i64} {
  func.func @gather_kernel(%arg0: i32, %arg1: i32, %arg2: memref<8192x8192xf32, #tpu.memory_space<hbm>>, %arg3: memref<768xi32, #tpu.memory_space<hbm>>, %arg4: memref<768x8192xf32, #tpu.memory_space<hbm>>, %arg5: memref<24xi32, #tpu.memory_space<vmem>>, %arg6: memref<8x8192xf32, #tpu.memory_space<vmem>>, %arg7: memref<!tpu.dma_semaphore, #tpu.memory_space<semaphore_mem>>) attributes {dimension_semantics = [#tpu.dimension_semantics<core_parallel>, #tpu.dimension_semantics<subcore_parallel>], iteration_bounds = array<i64: 2, 16>, scalar_prefetch = 0 : i64, scratch_operands = 3 : i64, tpu.core_type = #tpu.core_type<sc_vector_subcore>, window_params = [{transform_indices = #map}, {transform_indices = #map1}, {transform_indices = #map}]} {
    %mul3A = arith.constant 2 : i32
    %mul3A_0 = arith.muli %arg1, %mul3A : i32
    %add3A = arith.addi %mul3A_0, %arg0 : i32
    %mul3A_1 = arith.constant 24 : i32
    %mul3A_2 = arith.muli %add3A, %mul3A_1 : i32
    "tpu.region"() ({
      %run_scoped3A = tpu.sem_alloc : memref<!tpu.dma_semaphore, #tpu.memory_space<semaphore_mem>>
      %dma_start3A_37 = tpu.memref_slice %arg3[%mul3A_2] : memref<768xi32, #tpu.memory_space<hbm>> -> memref<24xi32, #tpu.memory_space<hbm>>
      %dma_start3A_38 = tpu.memref_slice %arg3[%mul3A_2] : memref<768xi32, #tpu.memory_space<hbm>> -> memref<24xi32, #tpu.memory_space<hbm>>
      tpu.enqueue_dma source(%dma_start3A_38 : memref<24xi32, #tpu.memory_space<hbm>>) target(%arg5 : memref<24xi32, #tpu.memory_space<vmem>>) target_semaphore(%run_scoped3A : memref<!tpu.dma_semaphore, #tpu.memory_space<semaphore_mem>>)
      %dma_wait3A_39 = tpu.memref_slice %arg3[%mul3A_2] : memref<768xi32, #tpu.memory_space<hbm>> -> memref<24xi32, #tpu.memory_space<hbm>>
      %dma_wait3A_40 = tpu.memref_slice %arg3[%mul3A_2] : memref<768xi32, #tpu.memory_space<hbm>> -> memref<24xi32, #tpu.memory_space<hbm>>
      tpu.wait_dma2 semaphore(%run_scoped3A : memref<!tpu.dma_semaphore, #tpu.memory_space<semaphore_mem>>) src(%dma_wait3A_40 : memref<24xi32, #tpu.memory_space<hbm>>) dst(%arg5 : memref<24xi32, #tpu.memory_space<vmem>>)
      tpu.yield
    }) : () -> ()
    %dma_start3A = arith.constant 0 : i32
    %dma_start3A_3 = tpu.memref_slice %arg5[%dma_start3A] : memref<24xi32, #tpu.memory_space<vmem>> -> memref<8xi32, #tpu.memory_space<vmem>>
    %dma_start3A_4 = arith.constant 0 : i32
    %dma_start3A_5 = arith.constant 0 : i32
    %dma_start3A_6 = tpu.memref_slice %arg2[%dma_start3A_4, %dma_start3A_5] : memref<8192x8192xf32, #tpu.memory_space<hbm>> -> memref<8192x8192xf32, #tpu.memory_space<hbm>>
    tpu.enqueue_indirect_dma source(%dma_start3A_6 : memref<8192x8192xf32, #tpu.memory_space<hbm>>) target(%arg6 : memref<8x8192xf32, #tpu.memory_space<vmem>>) offsets(%dma_start3A_3 : memref<8xi32, #tpu.memory_space<vmem>>) semaphore(%arg7 : memref<!tpu.dma_semaphore, #tpu.memory_space<semaphore_mem>>)
    %dma_wait3A = arith.constant 0 : i32
    %dma_wait3A_7 = tpu.memref_slice %arg5[%dma_wait3A] : memref<24xi32, #tpu.memory_space<vmem>> -> memref<8xi32, #tpu.memory_space<vmem>>
    %dma_wait3A_8 = arith.constant 0 : i32
    %dma_wait3A_9 = arith.constant 0 : i32
    %dma_wait3A_10 = tpu.memref_slice %arg2[%dma_wait3A_8, %dma_wait3A_9] : memref<8192x8192xf32, #tpu.memory_space<hbm>> -> memref<8192x8192xf32, #tpu.memory_space<hbm>>
    tpu.wait_indirect_dma semaphore(%arg7 : memref<!tpu.dma_semaphore, #tpu.memory_space<semaphore_mem>>) src(%dma_wait3A_10 : memref<8192x8192xf32, #tpu.memory_space<hbm>>) dst(%arg6 : memref<8x8192xf32, #tpu.memory_space<vmem>>)
    %add3A_11 = arith.constant 0 : i32
    %add3A_12 = arith.addi %mul3A_2, %add3A_11 : i32
    "tpu.region"() ({
      %run_scoped3A = tpu.sem_alloc : memref<!tpu.dma_semaphore, #tpu.memory_space<semaphore_mem>>
      %dma_start3A_37 = arith.constant 0 : i32
      %dma_start3A_38 = tpu.memref_slice %arg4[%add3A_12, %dma_start3A_37] : memref<768x8192xf32, #tpu.memory_space<hbm>> -> memref<8x8192xf32, #tpu.memory_space<hbm>>
      %dma_start3A_39 = arith.constant 0 : i32
      %dma_start3A_40 = tpu.memref_slice %arg4[%add3A_12, %dma_start3A_39] : memref<768x8192xf32, #tpu.memory_space<hbm>> -> memref<8x8192xf32, #tpu.memory_space<hbm>>
      tpu.enqueue_dma source(%arg6 : memref<8x8192xf32, #tpu.memory_space<vmem>>) target(%dma_start3A_40 : memref<8x8192xf32, #tpu.memory_space<hbm>>) target_semaphore(%run_scoped3A : memref<!tpu.dma_semaphore, #tpu.memory_space<semaphore_mem>>)
      %dma_wait3A_41 = arith.constant 0 : i32
      %dma_wait3A_42 = tpu.memref_slice %arg4[%add3A_12, %dma_wait3A_41] : memref<768x8192xf32, #tpu.memory_space<hbm>> -> memref<8x8192xf32, #tpu.memory_space<hbm>>
      %dma_wait3A_43 = arith.constant 0 : i32
      %dma_wait3A_44 = tpu.memref_slice %arg4[%add3A_12, %dma_wait3A_43] : memref<768x8192xf32, #tpu.memory_space<hbm>> -> memref<8x8192xf32, #tpu.memory_space<hbm>>
      tpu.wait_dma2 semaphore(%run_scoped3A : memref<!tpu.dma_semaphore, #tpu.memory_space<semaphore_mem>>) src(%arg6 : memref<8x8192xf32, #tpu.memory_space<vmem>>) dst(%dma_wait3A_44 : memref<8x8192xf32, #tpu.memory_space<hbm>>)
      tpu.yield
    }) : () -> ()
    %dma_start3A_13 = arith.constant 8 : i32
    %dma_start3A_14 = tpu.memref_slice %arg5[%dma_start3A_13] : memref<24xi32, #tpu.memory_space<vmem>> -> memref<8xi32, #tpu.memory_space<vmem>>
    %dma_start3A_15 = arith.constant 0 : i32
    %dma_start3A_16 = arith.constant 0 : i32
    %dma_start3A_17 = tpu.memref_slice %arg2[%dma_start3A_15, %dma_start3A_16] : memref<8192x8192xf32, #tpu.memory_space<hbm>> -> memref<8192x8192xf32, #tpu.memory_space<hbm>>
    tpu.enqueue_indirect_dma source(%dma_start3A_17 : memref<8192x8192xf32, #tpu.memory_space<hbm>>) target(%arg6 : memref<8x8192xf32, #tpu.memory_space<vmem>>) offsets(%dma_start3A_14 : memref<8xi32, #tpu.memory_space<vmem>>) semaphore(%arg7 : memref<!tpu.dma_semaphore, #tpu.memory_space<semaphore_mem>>)
    %dma_wait3A_18 = arith.constant 8 : i32
    %dma_wait3A_19 = tpu.memref_slice %arg5[%dma_wait3A_18] : memref<24xi32, #tpu.memory_space<vmem>> -> memref<8xi32, #tpu.memory_space<vmem>>
    %dma_wait3A_20 = arith.constant 0 : i32
    %dma_wait3A_21 = arith.constant 0 : i32
    %dma_wait3A_22 = tpu.memref_slice %arg2[%dma_wait3A_20, %dma_wait3A_21] : memref<8192x8192xf32, #tpu.memory_space<hbm>> -> memref<8192x8192xf32, #tpu.memory_space<hbm>>
    tpu.wait_indirect_dma semaphore(%arg7 : memref<!tpu.dma_semaphore, #tpu.memory_space<semaphore_mem>>) src(%dma_wait3A_22 : memref<8192x8192xf32, #tpu.memory_space<hbm>>) dst(%arg6 : memref<8x8192xf32, #tpu.memory_space<vmem>>)
    %add3A_23 = arith.constant 8 : i32
    %add3A_24 = arith.addi %mul3A_2, %add3A_23 : i32
    "tpu.region"() ({
      %run_scoped3A = tpu.sem_alloc : memref<!tpu.dma_semaphore, #tpu.memory_space<semaphore_mem>>
      %dma_start3A_37 = arith.constant 0 : i32
      %dma_start3A_38 = tpu.memref_slice %arg4[%add3A_24, %dma_start3A_37] : memref<768x8192xf32, #tpu.memory_space<hbm>> -> memref<8x8192xf32, #tpu.memory_space<hbm>>
      %dma_start3A_39 = arith.constant 0 : i32
      %dma_start3A_40 = tpu.memref_slice %arg4[%add3A_24, %dma_start3A_39] : memref<768x8192xf32, #tpu.memory_space<hbm>> -> memref<8x8192xf32, #tpu.memory_space<hbm>>
      tpu.enqueue_dma source(%arg6 : memref<8x8192xf32, #tpu.memory_space<vmem>>) target(%dma_start3A_40 : memref<8x8192xf32, #tpu.memory_space<hbm>>) target_semaphore(%run_scoped3A : memref<!tpu.dma_semaphore, #tpu.memory_space<semaphore_mem>>)
      %dma_wait3A_41 = arith.constant 0 : i32
      %dma_wait3A_42 = tpu.memref_slice %arg4[%add3A_24, %dma_wait3A_41] : memref<768x8192xf32, #tpu.memory_space<hbm>> -> memref<8x8192xf32, #tpu.memory_space<hbm>>
      %dma_wait3A_43 = arith.constant 0 : i32
      %dma_wait3A_44 = tpu.memref_slice %arg4[%add3A_24, %dma_wait3A_43] : memref<768x8192xf32, #tpu.memory_space<hbm>> -> memref<8x8192xf32, #tpu.memory_space<hbm>>
      tpu.wait_dma2 semaphore(%run_scoped3A : memref<!tpu.dma_semaphore, #tpu.memory_space<semaphore_mem>>) src(%arg6 : memref<8x8192xf32, #tpu.memory_space<vmem>>) dst(%dma_wait3A_44 : memref<8x8192xf32, #tpu.memory_space<hbm>>)
      tpu.yield
    }) : () -> ()
    %dma_start3A_25 = arith.constant 16 : i32
    %dma_start3A_26 = tpu.memref_slice %arg5[%dma_start3A_25] : memref<24xi32, #tpu.memory_space<vmem>> -> memref<8xi32, #tpu.memory_space<vmem>>
    %dma_start3A_27 = arith.constant 0 : i32
    %dma_start3A_28 = arith.constant 0 : i32
    %dma_start3A_29 = tpu.memref_slice %arg2[%dma_start3A_27, %dma_start3A_28] : memref<8192x8192xf32, #tpu.memory_space<hbm>> -> memref<8192x8192xf32, #tpu.memory_space<hbm>>
    tpu.enqueue_indirect_dma source(%dma_start3A_29 : memref<8192x8192xf32, #tpu.memory_space<hbm>>) target(%arg6 : memref<8x8192xf32, #tpu.memory_space<vmem>>) offsets(%dma_start3A_26 : memref<8xi32, #tpu.memory_space<vmem>>) semaphore(%arg7 : memref<!tpu.dma_semaphore, #tpu.memory_space<semaphore_mem>>)
    %dma_wait3A_30 = arith.constant 16 : i32
    %dma_wait3A_31 = tpu.memref_slice %arg5[%dma_wait3A_30] : memref<24xi32, #tpu.memory_space<vmem>> -> memref<8xi32, #tpu.memory_space<vmem>>
    %dma_wait3A_32 = arith.constant 0 : i32
    %dma_wait3A_33 = arith.constant 0 : i32
    %dma_wait3A_34 = tpu.memref_slice %arg2[%dma_wait3A_32, %dma_wait3A_33] : memref<8192x8192xf32, #tpu.memory_space<hbm>> -> memref<8192x8192xf32, #tpu.memory_space<hbm>>
    tpu.wait_indirect_dma semaphore(%arg7 : memref<!tpu.dma_semaphore, #tpu.memory_space<semaphore_mem>>) src(%dma_wait3A_34 : memref<8192x8192xf32, #tpu.memory_space<hbm>>) dst(%arg6 : memref<8x8192xf32, #tpu.memory_space<vmem>>)
    %add3A_35 = arith.constant 16 : i32
    %add3A_36 = arith.addi %mul3A_2, %add3A_35 : i32
    "tpu.region"() ({
      %run_scoped3A = tpu.sem_alloc : memref<!tpu.dma_semaphore, #tpu.memory_space<semaphore_mem>>
      %dma_start3A_37 = arith.constant 0 : i32
      %dma_start3A_38 = tpu.memref_slice %arg4[%add3A_36, %dma_start3A_37] : memref<768x8192xf32, #tpu.memory_space<hbm>> -> memref<8x8192xf32, #tpu.memory_space<hbm>>
      %dma_start3A_39 = arith.constant 0 : i32
      %dma_start3A_40 = tpu.memref_slice %arg4[%add3A_36, %dma_start3A_39] : memref<768x8192xf32, #tpu.memory_space<hbm>> -> memref<8x8192xf32, #tpu.memory_space<hbm>>
      tpu.enqueue_dma source(%arg6 : memref<8x8192xf32, #tpu.memory_space<vmem>>) target(%dma_start3A_40 : memref<8x8192xf32, #tpu.memory_space<hbm>>) target_semaphore(%run_scoped3A : memref<!tpu.dma_semaphore, #tpu.memory_space<semaphore_mem>>)
      %dma_wait3A_41 = arith.constant 0 : i32
      %dma_wait3A_42 = tpu.memref_slice %arg4[%add3A_36, %dma_wait3A_41] : memref<768x8192xf32, #tpu.memory_space<hbm>> -> memref<8x8192xf32, #tpu.memory_space<hbm>>
      %dma_wait3A_43 = arith.constant 0 : i32
      %dma_wait3A_44 = tpu.memref_slice %arg4[%add3A_36, %dma_wait3A_43] : memref<768x8192xf32, #tpu.memory_space<hbm>> -> memref<8x8192xf32, #tpu.memory_space<hbm>>
      tpu.wait_dma2 semaphore(%run_scoped3A : memref<!tpu.dma_semaphore, #tpu.memory_space<semaphore_mem>>) src(%arg6 : memref<8x8192xf32, #tpu.memory_space<vmem>>) dst(%dma_wait3A_44 : memref<8x8192xf32, #tpu.memory_space<hbm>>)
      tpu.yield
    }) : () -> ()
    return
  }
}

module attributes {stable_mosaic.version = 14 : i64} {
  func.func @_prep_body(%arg0: i32, %arg1: memref<600x1024xf32, #tpu.memory_space<vmem>>, %arg2: memref<200x1024xf32, #tpu.memory_space<vmem>>, %arg3: memref<1024x600xbf16, #tpu.memory_space<vmem>>, %arg4: memref<200x1024xbf16, #tpu.memory_space<vmem>>) attributes {dimension_semantics = [#tpu.dimension_semantics<arbitrary>], iteration_bounds = array<i64: 8>, scalar_prefetch = 0 : i64, scratch_operands = 0 : i64, tpu.core_type = #tpu.core_type<tc>, window_params = [{transform_indices = @transform_0, window_bounds = array<i64: 600, 1024>}, {transform_indices = @transform_1, window_bounds = array<i64: 200, 1024>}, {transform_indices = @transform_2, window_bounds = array<i64: 1024, 600>}, {transform_indices = @transform_3, window_bounds = array<i64: 200, 1024>}]} {
    %get3A = arith.constant 0 : index
    %get3A_0 = arith.constant 0 : index
    %get3A_1 = vector.load %arg1[%get3A, %get3A_0] : memref<600x1024xf32, #tpu.memory_space<vmem>>, vector<600x1024xf32>
    %convert_element_type3A = arith.truncf %get3A_1 : vector<600x1024xf32> to vector<600x1024xbf16>
    %transpose3A = tpu.transpose %convert_element_type3A, [1, 0] : vector<600x1024xbf16> -> vector<1024x600xbf16>
    %swap3A = arith.constant 0 : index
    %swap3A_2 = arith.constant 0 : index
    %swap3A_3 = vector.load %arg3[%swap3A, %swap3A_2] : memref<1024x600xbf16, #tpu.memory_space<vmem>>, vector<1024x600xbf16>
    tpu.vector_store %arg3[%swap3A, %swap3A_2], %transpose3A {strides = array<i32>} : memref<1024x600xbf16, #tpu.memory_space<vmem>>, vector<1024x600xbf16>,
    %get3A_4 = arith.constant 0 : index
    %get3A_5 = arith.constant 0 : index
    %get3A_6 = vector.load %arg2[%get3A_4, %get3A_5] : memref<200x1024xf32, #tpu.memory_space<vmem>>, vector<200x1024xf32>
    %mul3A = arith.mulf %get3A_6, %get3A_6 : vector<200x1024xf32>
    %reduce_sum3A = arith.constant dense<0.000000e+00> : vector<1024xf32>
    %reduce_sum3A_7 = vector.multi_reduction <add>, %mul3A, %reduce_sum3A [0] : vector<200x1024xf32> to vector<1024xf32>
    %broadcast_in_dim3A = vector.shape_cast %reduce_sum3A_7 : vector<1024xf32> to vector<1x1024xf32>
    %sqrt3A = math.sqrt %broadcast_in_dim3A : vector<1x1024xf32>
    %max3A = arith.constant 9.99999996E-13 : f32
    %max3A_8 = vector.broadcast %max3A : f32 to vector<1x1024xf32>
    %max3A_9 = arith.maximumf %sqrt3A, %max3A_8 : vector<1x1024xf32>
    %div3A = vector.broadcast %max3A_9 : vector<1x1024xf32> to vector<200x1024xf32>
    %div3A_10 = arith.divf %get3A_6, %div3A : vector<200x1024xf32>
    %convert_element_type3A_11 = arith.truncf %div3A_10 : vector<200x1024xf32> to vector<200x1024xbf16>
    %swap3A_12 = arith.constant 0 : index
    %swap3A_13 = arith.constant 0 : index
    %swap3A_14 = vector.load %arg4[%swap3A_12, %swap3A_13] : memref<200x1024xbf16, #tpu.memory_space<vmem>>, vector<200x1024xbf16>
    tpu.vector_store %arg4[%swap3A_12, %swap3A_13], %convert_element_type3A_11 {strides = array<i32>} : memref<200x1024xbf16, #tpu.memory_space<vmem>>, vector<200x1024xbf16>,
    return
  }
  func.func @transform_0(%arg0: i32) -> (i32, i32) {
    %c0_i32 = arith.constant 0 : i32
    %c0_i32_0 = arith.constant 0 : i32
    return %c0_i32, %arg0 : i32, i32
  }
  func.func @transform_1(%arg0: i32) -> (i32, i32) {
    %c0_i32 = arith.constant 0 : i32
    %c0_i32_0 = arith.constant 0 : i32
    return %c0_i32, %arg0 : i32, i32
  }
  func.func @transform_2(%arg0: i32) -> (i32, i32) {
    %c0_i32 = arith.constant 0 : i32
    %c0_i32_0 = arith.constant 0 : i32
    return %arg0, %c0_i32 : i32, i32
  }
  func.func @transform_3(%arg0: i32) -> (i32, i32) {
    %c0_i32 = arith.constant 0 : i32
    %c0_i32_0 = arith.constant 0 : i32
    return %c0_i32, %arg0 : i32, i32
  }
}

module attributes {stable_mosaic.version = 14 : i64} {
  func.func @_tc_body(%arg0: i32, %arg1: memref<128x8192xf32, #tpu.memory_space<vmem>>, %arg2: memref<128x8192xf32, #tpu.memory_space<vmem>>, %arg3: memref<8192x600xbf16, #tpu.memory_space<vmem>>, %arg4: memref<1x600xf32, #tpu.memory_space<vmem>>, %arg5: memref<600x400xf32, #tpu.memory_space<vmem>>, %arg6: memref<1x400xf32, #tpu.memory_space<vmem>>, %arg7: memref<200x8192xbf16, #tpu.memory_space<vmem>>, %arg8: memref<128x200xf32, #tpu.memory_space<vmem>>, %arg9: memref<1x1x128xf32, #tpu.memory_space<vmem>>, %arg10: memref<128x200xf32, #tpu.memory_space<vmem>>, %arg11: memref<128x8192xf32, #tpu.memory_space<vmem>>, %arg12: memref<1x1x128xf32, #tpu.memory_space<vmem>>, %arg13: memref<1x1xf32, #tpu.memory_space<smem>>) attributes {dimension_semantics = [#tpu.dimension_semantics<arbitrary>], iteration_bounds = array<i64: 2>, scalar_prefetch = 0 : i64, scratch_operands = 1 : i64, tpu.core_type = #tpu.core_type<tc>, window_params = [{transform_indices = @transform_0, window_bounds = array<i64: 128, 8192>}, {transform_indices = @transform_1, window_bounds = array<i64: 128, 8192>}, {pipeline_mode = #tpu.pipeline_mode<synchronous>, transform_indices = @transform_2, window_bounds = array<i64: 8192, 600>}, {pipeline_mode = #tpu.pipeline_mode<synchronous>, transform_indices = @transform_3, window_bounds = array<i64: 1, 600>}, {pipeline_mode = #tpu.pipeline_mode<synchronous>, transform_indices = @transform_4, window_bounds = array<i64: 600, 400>}, {pipeline_mode = #tpu.pipeline_mode<synchronous>, transform_indices = @transform_5, window_bounds = array<i64: 1, 400>}, {pipeline_mode = #tpu.pipeline_mode<synchronous>, transform_indices = @transform_6, window_bounds = array<i64: 200, 8192>}, {transform_indices = @transform_7, window_bounds = array<i64: 128, 200>}, {pipeline_mode = #tpu.pipeline_mode<synchronous>, transform_indices = @transform_8, window_bounds = array<i64: 1, 1, 128>}, {transform_indices = @transform_9, window_bounds = array<i64: 128, 200>}, {transform_indices = @transform_10, window_bounds = array<i64: 128, 8192>}, {pipeline_mode = #tpu.pipeline_mode<synchronous>, transform_indices = @transform_11, window_bounds = array<i64: 1, 1, 128>}]} {
    %get3A = arith.constant 0 : index
    %get3A_0 = arith.constant 0 : index
    %get3A_1 = vector.load %arg2[%get3A, %get3A_0] : memref<128x8192xf32, #tpu.memory_space<vmem>>, vector<128x8192xf32>
    %gt3A = arith.constant 0.000000e+00 : f32
    %gt3A_2 = vector.broadcast %gt3A : f32 to vector<128x8192xf32>
    %gt3A_3 = arith.cmpf ogt, %get3A_1, %gt3A_2 : vector<128x8192xf32>
    %get3A_4 = arith.constant 0 : index
    %get3A_5 = arith.constant 0 : index
    %get3A_6 = vector.load %arg1[%get3A_4, %get3A_5] : memref<128x8192xf32, #tpu.memory_space<vmem>>, vector<128x8192xf32>
    %jit3A = arith.constant 0.000000e+00 : f32
    %broadcast_in_dim3A = vector.broadcast %jit3A : f32 to vector<128x8192xf32>
    %select_n3A = arith.select %gt3A_3, %get3A_6, %broadcast_in_dim3A : vector<128x8192xi1>, vector<128x8192xf32>
    %convert_element_type3A = arith.truncf %select_n3A : vector<128x8192xf32> to vector<128x8192xbf16>
    %convert_element_type3A_7 = arith.extf %convert_element_type3A : vector<128x8192xbf16> to vector<128x8192xf32>
    %reduce_sum3A = arith.constant dense<0.000000e+00> : vector<128xf32>
    %reduce_sum3A_8 = vector.multi_reduction <add>, %convert_element_type3A_7, %reduce_sum3A [1] : vector<128x8192xf32> to vector<128xf32>
    %broadcast_in_dim3A_9 = vector.shape_cast %reduce_sum3A_8 : vector<128xf32> to vector<128x1xf32>
    %max3A = arith.constant 9.99999996E-13 : f32
    %max3A_10 = vector.broadcast %max3A : f32 to vector<128x1xf32>
    %max3A_11 = arith.maximumf %broadcast_in_dim3A_9, %max3A_10 : vector<128x1xf32>
    %mul3A = arith.mulf %convert_element_type3A_7, %convert_element_type3A_7 : vector<128x8192xf32>
    %reduce_sum3A_12 = arith.constant dense<0.000000e+00> : vector<128xf32>
    %reduce_sum3A_13 = vector.multi_reduction <add>, %mul3A, %reduce_sum3A_12 [1] : vector<128x8192xf32> to vector<128xf32>
    %broadcast_in_dim3A_14 = vector.shape_cast %reduce_sum3A_13 : vector<128xf32> to vector<128x1xf32>
    %sqrt3A = math.sqrt %broadcast_in_dim3A_14 : vector<128x1xf32>
    %div3A = arith.divf %sqrt3A, %max3A_11 : vector<128x1xf32>
    %max3A_15 = arith.constant 9.99999996E-13 : f32
    %max3A_16 = vector.broadcast %max3A_15 : f32 to vector<128x1xf32>
    %max3A_17 = arith.maximumf %div3A, %max3A_16 : vector<128x1xf32>
    %mul3A_18 = arith.mulf %max3A_11, %max3A_17 : vector<128x1xf32>
    %div3A_19 = arith.constant 1.000000e+00 : f32
    %div3A_20 = vector.broadcast %div3A_19 : f32 to vector<128x1xf32>
    %div3A_21 = arith.divf %div3A_20, %mul3A_18 : vector<128x1xf32>
    %get3A_22 = arith.constant 0 : index
    %get3A_23 = arith.constant 0 : index
    %get3A_24 = vector.load %arg3[%get3A_22, %get3A_23] : memref<8192x600xbf16, #tpu.memory_space<vmem>>, vector<8192x600xbf16>
    %dot_general3A = arith.constant dense<0.000000e+00> : vector<128x600xf32>
    %dot_general3A_25 = tpu.matmul %convert_element_type3A, %get3A_24, %dot_general3A {dimension_numbers = #tpu.dot_dimension_numbers<[1], [0], [0], [1], [0, 0, 1, 1], [], []>, transpose_lhs_hint = false} : vector<128x8192xbf16>, vector<8192x600xbf16>, vector<128x600xf32> -> vector<128x600xf32>
    %mul3A_26 = vector.broadcast %div3A_21 : vector<128x1xf32> to vector<128x600xf32>
    %mul3A_27 = arith.mulf %dot_general3A_25, %mul3A_26 : vector<128x600xf32>
    %get3A_28 = arith.constant 0 : index
    %get3A_29 = arith.constant 0 : index
    %get3A_30 = vector.load %arg4[%get3A_28, %get3A_29] : memref<1x600xf32, #tpu.memory_space<vmem>>, vector<1x600xf32>
    %add3A = vector.broadcast %get3A_30 : vector<1x600xf32> to vector<128x600xf32>
    %add3A_31 = arith.addf %mul3A_27, %add3A : vector<128x600xf32>
    %tanh3A = math.tanh %add3A_31 : vector<128x600xf32>
    %get3A_32 = arith.constant 0 : index
    %get3A_33 = arith.constant 0 : index
    %get3A_34 = vector.load %arg5[%get3A_32, %get3A_33] : memref<600x400xf32, #tpu.memory_space<vmem>>, vector<600x400xf32>
    %dot_general3A_35 = arith.constant dense<0.000000e+00> : vector<128x400xf32>
    %dot_general3A_36 = tpu.matmul %tanh3A, %get3A_34, %dot_general3A_35 {dimension_numbers = #tpu.dot_dimension_numbers<[1], [0], [0], [1], [0, 0, 1, 1], [], []>, transpose_lhs_hint = false} : vector<128x600xf32>, vector<600x400xf32>, vector<128x400xf32> -> vector<128x400xf32>
    %get3A_37 = arith.constant 0 : index
    %get3A_38 = arith.constant 0 : index
    %get3A_39 = vector.load %arg6[%get3A_37, %get3A_38] : memref<1x400xf32, #tpu.memory_space<vmem>>, vector<1x400xf32>
    %add3A_40 = vector.broadcast %get3A_39 : vector<1x400xf32> to vector<128x400xf32>
    %add3A_41 = arith.addf %dot_general3A_36, %add3A_40 : vector<128x400xf32>
    %slice3A = vector.extract_strided_slice %add3A_41 {offsets = [0, 0], sizes = [128, 200], strides = [1, 1]} : vector<128x400xf32> to vector<128x200xf32>
    %slice3A_42 = vector.extract_strided_slice %add3A_41 {offsets = [0, 200], sizes = [128, 200], strides = [1, 1]} : vector<128x400xf32> to vector<128x200xf32>
    %mul3A_43 = arith.constant 5.000000e-01 : f32
    %mul3A_44 = vector.broadcast %mul3A_43 : f32 to vector<128x200xf32>
    %mul3A_45 = arith.mulf %mul3A_44, %slice3A_42 : vector<128x200xf32>
    %exp3A = math.exp %mul3A_45 : vector<128x200xf32>
    %get3A_46 = arith.constant 0 : index
    %get3A_47 = arith.constant 0 : index
    %get3A_48 = vector.load %arg8[%get3A_46, %get3A_47] : memref<128x200xf32, #tpu.memory_space<vmem>>, vector<128x200xf32>
    %mul3A_49 = arith.mulf %get3A_48, %exp3A : vector<128x200xf32>
    %add3A_50 = arith.addf %slice3A, %mul3A_49 : vector<128x200xf32>
    %swap3A = arith.constant 0 : index
    %swap3A_51 = arith.constant 0 : index
    %swap3A_52 = vector.load %arg10[%swap3A, %swap3A_51] : memref<128x200xf32, #tpu.memory_space<vmem>>, vector<128x200xf32>
    tpu.vector_store %arg10[%swap3A, %swap3A_51], %add3A_50 {strides = array<i32>} : memref<128x200xf32, #tpu.memory_space<vmem>>, vector<128x200xf32>,
    %mul3A_53 = arith.mulf %add3A_50, %add3A_50 : vector<128x200xf32>
    %reduce_sum3A_54 = arith.constant dense<0.000000e+00> : vector<128xf32>
    %reduce_sum3A_55 = vector.multi_reduction <add>, %mul3A_53, %reduce_sum3A_54 [1] : vector<128x200xf32> to vector<128xf32>
    %broadcast_in_dim3A_56 = vector.shape_cast %reduce_sum3A_55 : vector<128xf32> to vector<128x1xf32>
    %sqrt3A_57 = math.sqrt %broadcast_in_dim3A_56 : vector<128x1xf32>
    %max3A_58 = arith.constant 9.99999996E-13 : f32
    %max3A_59 = vector.broadcast %max3A_58 : f32 to vector<128x1xf32>
    %max3A_60 = arith.maximumf %sqrt3A_57, %max3A_59 : vector<128x1xf32>
    %div3A_61 = arith.constant 5.000000e+00 : f32
    %div3A_62 = vector.broadcast %div3A_61 : f32 to vector<128x1xf32>
    %div3A_63 = arith.divf %div3A_62, %max3A_60 : vector<128x1xf32>
    %mul3A_64 = vector.broadcast %div3A_63 : vector<128x1xf32> to vector<128x200xf32>
    %mul3A_65 = arith.mulf %add3A_50, %mul3A_64 : vector<128x200xf32>
    %convert_element_type3A_66 = arith.truncf %mul3A_65 : vector<128x200xf32> to vector<128x200xbf16>
    %get3A_67 = arith.constant 0 : index
    %get3A_68 = arith.constant 0 : index
    %get3A_69 = vector.load %arg7[%get3A_67, %get3A_68] : memref<200x8192xbf16, #tpu.memory_space<vmem>>, vector<200x8192xbf16>
    %dot_general3A_70 = arith.constant dense<0.000000e+00> : vector<128x8192xf32>
    %dot_general3A_71 = tpu.matmul %convert_element_type3A_66, %get3A_69, %dot_general3A_70 {dimension_numbers = #tpu.dot_dimension_numbers<[1], [0], [0], [1], [0, 0, 1, 1], [], []>, transpose_lhs_hint = false} : vector<128x200xbf16>, vector<200x8192xbf16>, vector<128x8192xf32> -> vector<128x8192xf32>
    %swap3A_72 = arith.constant 0 : index
    %swap3A_73 = arith.constant 0 : index
    %swap3A_74 = vector.load %arg11[%swap3A_72, %swap3A_73] : memref<128x8192xf32, #tpu.memory_space<vmem>>, vector<128x8192xf32>
    tpu.vector_store %arg11[%swap3A_72, %swap3A_73], %dot_general3A_71 {strides = array<i32>} : memref<128x8192xf32, #tpu.memory_space<vmem>>, vector<128x8192xf32>,
    %mul3A_75 = arith.mulf %exp3A, %exp3A : vector<128x200xf32>
    %mul3A_76 = arith.mulf %slice3A, %slice3A : vector<128x200xf32>
    %add3A_77 = arith.addf %mul3A_76, %mul3A_75 : vector<128x200xf32>
    %sub3A = arith.constant 1.000000e+00 : f32
    %sub3A_78 = vector.broadcast %sub3A : f32 to vector<128x200xf32>
    %sub3A_79 = arith.subf %add3A_77, %sub3A_78 : vector<128x200xf32>
    %sub3A_80 = arith.subf %sub3A_79, %slice3A_42 : vector<128x200xf32>
    %reduce_sum3A_81 = vector.shape_cast %sub3A_80 : vector<128x200xf32> to vector<1x128x200xf32>
    %reduce_sum3A_82 = arith.constant dense<0.000000e+00> : vector<1xf32>
    %reduce_sum3A_83 = vector.multi_reduction <add>, %reduce_sum3A_81, %reduce_sum3A_82 [1, 2] : vector<1x128x200xf32> to vector<1xf32>
    %reduce_sum3A_84 = vector.shape_cast %reduce_sum3A_83 : vector<1xf32> to vector<1x1x1xf32>
    %reduce_sum3A_85 = vector.extract %reduce_sum3A_84[0, 0, 0] : f32 from vector<1x1x1xf32>
    %eq3A = arith.constant 0 : i32
    %eq3A_86 = arith.cmpi eq, %arg0, %eq3A : i32
    %get3A_87 = arith.constant 0 : index
    %get3A_88 = arith.constant 0 : index
    %get3A_89 = memref.load %arg13[%get3A_87, %get3A_88] : memref<1x1xf32, #tpu.memory_space<smem>>
    %jit3A_90 = arith.constant 0.000000e+00 : f32
    %select_n3A_91 = arith.select %eq3A_86, %jit3A_90, %get3A_89 : f32
    %add3A_92 = arith.addf %select_n3A_91, %reduce_sum3A_85 : f32
    %swap3A_93 = arith.constant 0 : index
    %swap3A_94 = arith.constant 0 : index
    %swap3A_95 = memref.load %arg13[%swap3A_93, %swap3A_94] : memref<1x1xf32, #tpu.memory_space<smem>>
    memref.store %add3A_92, %arg13[%swap3A_93, %swap3A_94] : memref<1x1xf32, #tpu.memory_space<smem>>
    %get3A_96 = arith.constant 0 : index
    %get3A_97 = arith.constant 0 : index
    %get3A_98 = arith.constant 0 : index
    %get3A_99 = vector.load %arg9[%get3A_96, %get3A_97, %get3A_98] : memref<1x1x128xf32, #tpu.memory_space<vmem>>, vector<1x1x128xf32>
    %mul3A_100 = arith.constant 4.8828125E-4 : f32
    %mul3A_101 = arith.mulf %add3A_92, %mul3A_100 : f32
    %broadcast_in_dim3A_102 = vector.broadcast %mul3A_101 : f32 to vector<1x1x128xf32>
    %add3A_103 = arith.addf %get3A_99, %broadcast_in_dim3A_102 : vector<1x1x128xf32>
    %swap3A_104 = arith.constant 0 : index
    %swap3A_105 = arith.constant 0 : index
    %swap3A_106 = arith.constant 0 : index
    %swap3A_107 = vector.load %arg12[%swap3A_104, %swap3A_105, %swap3A_106] : memref<1x1x128xf32, #tpu.memory_space<vmem>>, vector<1x1x128xf32>
    tpu.vector_store %arg12[%swap3A_104, %swap3A_105, %swap3A_106], %add3A_103 {strides = array<i32>} : memref<1x1x128xf32, #tpu.memory_space<vmem>>, vector<1x1x128xf32>,
    return
  }
  func.func @transform_0(%arg0: i32) -> (i32, i32) {
    %c0_i32 = arith.constant 0 : i32
    %c0_i32_0 = arith.constant 0 : i32
    return %arg0, %c0_i32 : i32, i32
  }
  func.func @transform_1(%arg0: i32) -> (i32, i32) {
    %add3A = arith.constant 0 : i32
    %add3A_0 = arith.addi %arg0, %add3A : i32
    %c0_i32 = arith.constant 0 : i32
    %c0_i32_1 = arith.constant 0 : i32
    return %add3A_0, %c0_i32 : i32, i32
  }
  func.func @transform_2(%arg0: i32) -> (i32, i32) {
    %c0_i32 = arith.constant 0 : i32
    %c0_i32_0 = arith.constant 0 : i32
    %c0_i32_1 = arith.constant 0 : i32
    return %c0_i32, %c0_i32_0 : i32, i32
  }
  func.func @transform_3(%arg0: i32) -> (i32, i32) {
    %c0_i32 = arith.constant 0 : i32
    %c0_i32_0 = arith.constant 0 : i32
    %c0_i32_1 = arith.constant 0 : i32
    return %c0_i32, %c0_i32_0 : i32, i32
  }
  func.func @transform_4(%arg0: i32) -> (i32, i32) {
    %c0_i32 = arith.constant 0 : i32
    %c0_i32_0 = arith.constant 0 : i32
    %c0_i32_1 = arith.constant 0 : i32
    return %c0_i32, %c0_i32_0 : i32, i32
  }
  func.func @transform_5(%arg0: i32) -> (i32, i32) {
    %c0_i32 = arith.constant 0 : i32
    %c0_i32_0 = arith.constant 0 : i32
    %c0_i32_1 = arith.constant 0 : i32
    return %c0_i32, %c0_i32_0 : i32, i32
  }
  func.func @transform_6(%arg0: i32) -> (i32, i32) {
    %c0_i32 = arith.constant 0 : i32
    %c0_i32_0 = arith.constant 0 : i32
    %c0_i32_1 = arith.constant 0 : i32
    return %c0_i32, %c0_i32_0 : i32, i32
  }
  func.func @transform_7(%arg0: i32) -> (i32, i32) {
    %add3A = arith.constant 0 : i32
    %add3A_0 = arith.addi %arg0, %add3A : i32
    %c0_i32 = arith.constant 0 : i32
    %c0_i32_1 = arith.constant 0 : i32
    return %add3A_0, %c0_i32 : i32, i32
  }
  func.func @transform_8(%arg0: i32) -> (i32, i32, i32) {
    %c0_i32 = arith.constant 0 : i32
    %c0_i32_0 = arith.constant 0 : i32
    %c0_i32_1 = arith.constant 0 : i32
    %c0_i32_2 = arith.constant 0 : i32
    return %c0_i32, %c0_i32_0, %c0_i32_1 : i32, i32, i32
  }
  func.func @transform_9(%arg0: i32) -> (i32, i32) {
    %add3A = arith.constant 0 : i32
    %add3A_0 = arith.addi %arg0, %add3A : i32
    %c0_i32 = arith.constant 0 : i32
    %c0_i32_1 = arith.constant 0 : i32
    return %add3A_0, %c0_i32 : i32, i32
  }
  func.func @transform_10(%arg0: i32) -> (i32, i32) {
    %add3A = arith.constant 0 : i32
    %add3A_0 = arith.addi %arg0, %add3A : i32
    %c0_i32 = arith.constant 0 : i32
    %c0_i32_1 = arith.constant 0 : i32
    return %add3A_0, %c0_i32 : i32, i32
  }
  func.func @transform_11(%arg0: i32) -> (i32, i32, i32) {
    %c0_i32 = arith.constant 0 : i32
    %c0_i32_0 = arith.constant 0 : i32
    %c0_i32_1 = arith.constant 0 : i32
    %c0_i32_2 = arith.constant 0 : i32
    return %c0_i32, %c0_i32_0, %c0_i32_1 : i32, i32, i32
  }
}

module attributes {stable_mosaic.version = 14 : i64} {
  func.func @_tc_body(%arg0: i32, %arg1: memref<128x8192xf32, #tpu.memory_space<vmem>>, %arg2: memref<128x8192xf32, #tpu.memory_space<vmem>>, %arg3: memref<8192x600xbf16, #tpu.memory_space<vmem>>, %arg4: memref<1x600xf32, #tpu.memory_space<vmem>>, %arg5: memref<600x400xf32, #tpu.memory_space<vmem>>, %arg6: memref<1x400xf32, #tpu.memory_space<vmem>>, %arg7: memref<200x8192xbf16, #tpu.memory_space<vmem>>, %arg8: memref<128x200xf32, #tpu.memory_space<vmem>>, %arg9: memref<1x1x128xf32, #tpu.memory_space<vmem>>, %arg10: memref<1024x200xf32, #tpu.memory_space<any>>, %arg11: memref<1024x8192xf32, #tpu.memory_space<any>>, %arg12: memref<128x200xf32, #tpu.memory_space<vmem>>, %arg13: memref<128x8192xf32, #tpu.memory_space<vmem>>, %arg14: memref<1x1x128xf32, #tpu.memory_space<vmem>>, %arg15: memref<1x1xf32, #tpu.memory_space<smem>>) attributes {dimension_semantics = [#tpu.dimension_semantics<arbitrary>], iteration_bounds = array<i64: 6>, scalar_prefetch = 0 : i64, scratch_operands = 1 : i64, tpu.core_type = #tpu.core_type<tc>, window_params = [{transform_indices = @transform_0, window_bounds = array<i64: 128, 8192>}, {transform_indices = @transform_1, window_bounds = array<i64: 128, 8192>}, {pipeline_mode = #tpu.pipeline_mode<synchronous>, transform_indices = @transform_2, window_bounds = array<i64: 8192, 600>}, {pipeline_mode = #tpu.pipeline_mode<synchronous>, transform_indices = @transform_3, window_bounds = array<i64: 1, 600>}, {pipeline_mode = #tpu.pipeline_mode<synchronous>, transform_indices = @transform_4, window_bounds = array<i64: 600, 400>}, {pipeline_mode = #tpu.pipeline_mode<synchronous>, transform_indices = @transform_5, window_bounds = array<i64: 1, 400>}, {pipeline_mode = #tpu.pipeline_mode<synchronous>, transform_indices = @transform_6, window_bounds = array<i64: 200, 8192>}, {transform_indices = @transform_7, window_bounds = array<i64: 128, 200>}, {pipeline_mode = #tpu.pipeline_mode<synchronous>, transform_indices = @transform_8, window_bounds = array<i64: 1, 1, 128>}, {}, {}, {transform_indices = @transform_11, window_bounds = array<i64: 128, 200>}, {transform_indices = @transform_12, window_bounds = array<i64: 128, 8192>}, {pipeline_mode = #tpu.pipeline_mode<synchronous>, transform_indices = @transform_13, window_bounds = array<i64: 1, 1, 128>}]} {
    %get3A = arith.constant 0 : index
    %get3A_0 = arith.constant 0 : index
    %get3A_1 = vector.load %arg2[%get3A, %get3A_0] : memref<128x8192xf32, #tpu.memory_space<vmem>>, vector<128x8192xf32>
    %gt3A = arith.constant 0.000000e+00 : f32
    %gt3A_2 = vector.broadcast %gt3A : f32 to vector<128x8192xf32>
    %gt3A_3 = arith.cmpf ogt, %get3A_1, %gt3A_2 : vector<128x8192xf32>
    %get3A_4 = arith.constant 0 : index
    %get3A_5 = arith.constant 0 : index
    %get3A_6 = vector.load %arg1[%get3A_4, %get3A_5] : memref<128x8192xf32, #tpu.memory_space<vmem>>, vector<128x8192xf32>
    %jit3A = arith.constant 0.000000e+00 : f32
    %broadcast_in_dim3A = vector.broadcast %jit3A : f32 to vector<128x8192xf32>
    %select_n3A = arith.select %gt3A_3, %get3A_6, %broadcast_in_dim3A : vector<128x8192xi1>, vector<128x8192xf32>
    %convert_element_type3A = arith.truncf %select_n3A : vector<128x8192xf32> to vector<128x8192xbf16>
    %convert_element_type3A_7 = arith.extf %convert_element_type3A : vector<128x8192xbf16> to vector<128x8192xf32>
    %reduce_sum3A = arith.constant dense<0.000000e+00> : vector<128xf32>
    %reduce_sum3A_8 = vector.multi_reduction <add>, %convert_element_type3A_7, %reduce_sum3A [1] : vector<128x8192xf32> to vector<128xf32>
    %broadcast_in_dim3A_9 = vector.shape_cast %reduce_sum3A_8 : vector<128xf32> to vector<128x1xf32>
    %max3A = arith.constant 9.99999996E-13 : f32
    %max3A_10 = vector.broadcast %max3A : f32 to vector<128x1xf32>
    %max3A_11 = arith.maximumf %broadcast_in_dim3A_9, %max3A_10 : vector<128x1xf32>
    %mul3A = arith.mulf %convert_element_type3A_7, %convert_element_type3A_7 : vector<128x8192xf32>
    %reduce_sum3A_12 = arith.constant dense<0.000000e+00> : vector<128xf32>
    %reduce_sum3A_13 = vector.multi_reduction <add>, %mul3A, %reduce_sum3A_12 [1] : vector<128x8192xf32> to vector<128xf32>
    %broadcast_in_dim3A_14 = vector.shape_cast %reduce_sum3A_13 : vector<128xf32> to vector<128x1xf32>
    %sqrt3A = math.sqrt %broadcast_in_dim3A_14 : vector<128x1xf32>
    %div3A = arith.divf %sqrt3A, %max3A_11 : vector<128x1xf32>
    %max3A_15 = arith.constant 9.99999996E-13 : f32
    %max3A_16 = vector.broadcast %max3A_15 : f32 to vector<128x1xf32>
    %max3A_17 = arith.maximumf %div3A, %max3A_16 : vector<128x1xf32>
    %mul3A_18 = arith.mulf %max3A_11, %max3A_17 : vector<128x1xf32>
    %div3A_19 = arith.constant 1.000000e+00 : f32
    %div3A_20 = vector.broadcast %div3A_19 : f32 to vector<128x1xf32>
    %div3A_21 = arith.divf %div3A_20, %mul3A_18 : vector<128x1xf32>
    %get3A_22 = arith.constant 0 : index
    %get3A_23 = arith.constant 0 : index
    %get3A_24 = vector.load %arg3[%get3A_22, %get3A_23] : memref<8192x600xbf16, #tpu.memory_space<vmem>>, vector<8192x600xbf16>
    %dot_general3A = arith.constant dense<0.000000e+00> : vector<128x600xf32>
    %dot_general3A_25 = tpu.matmul %convert_element_type3A, %get3A_24, %dot_general3A {dimension_numbers = #tpu.dot_dimension_numbers<[1], [0], [0], [1], [0, 0, 1, 1], [], []>, transpose_lhs_hint = false} : vector<128x8192xbf16>, vector<8192x600xbf16>, vector<128x600xf32> -> vector<128x600xf32>
    %mul3A_26 = vector.broadcast %div3A_21 : vector<128x1xf32> to vector<128x600xf32>
    %mul3A_27 = arith.mulf %dot_general3A_25, %mul3A_26 : vector<128x600xf32>
    %get3A_28 = arith.constant 0 : index
    %get3A_29 = arith.constant 0 : index
    %get3A_30 = vector.load %arg4[%get3A_28, %get3A_29] : memref<1x600xf32, #tpu.memory_space<vmem>>, vector<1x600xf32>
    %add3A = vector.broadcast %get3A_30 : vector<1x600xf32> to vector<128x600xf32>
    %add3A_31 = arith.addf %mul3A_27, %add3A : vector<128x600xf32>
    %tanh3A = math.tanh %add3A_31 : vector<128x600xf32>
    %get3A_32 = arith.constant 0 : index
    %get3A_33 = arith.constant 0 : index
    %get3A_34 = vector.load %arg5[%get3A_32, %get3A_33] : memref<600x400xf32, #tpu.memory_space<vmem>>, vector<600x400xf32>
    %dot_general3A_35 = arith.constant dense<0.000000e+00> : vector<128x400xf32>
    %dot_general3A_36 = tpu.matmul %tanh3A, %get3A_34, %dot_general3A_35 {dimension_numbers = #tpu.dot_dimension_numbers<[1], [0], [0], [1], [0, 0, 1, 1], [], []>, transpose_lhs_hint = false} : vector<128x600xf32>, vector<600x400xf32>, vector<128x400xf32> -> vector<128x400xf32>
    %get3A_37 = arith.constant 0 : index
    %get3A_38 = arith.constant 0 : index
    %get3A_39 = vector.load %arg6[%get3A_37, %get3A_38] : memref<1x400xf32, #tpu.memory_space<vmem>>, vector<1x400xf32>
    %add3A_40 = vector.broadcast %get3A_39 : vector<1x400xf32> to vector<128x400xf32>
    %add3A_41 = arith.addf %dot_general3A_36, %add3A_40 : vector<128x400xf32>
    %slice3A = vector.extract_strided_slice %add3A_41 {offsets = [0, 0], sizes = [128, 200], strides = [1, 1]} : vector<128x400xf32> to vector<128x200xf32>
    %slice3A_42 = vector.extract_strided_slice %add3A_41 {offsets = [0, 200], sizes = [128, 200], strides = [1, 1]} : vector<128x400xf32> to vector<128x200xf32>
    %mul3A_43 = arith.constant 5.000000e-01 : f32
    %mul3A_44 = vector.broadcast %mul3A_43 : f32 to vector<128x200xf32>
    %mul3A_45 = arith.mulf %mul3A_44, %slice3A_42 : vector<128x200xf32>
    %exp3A = math.exp %mul3A_45 : vector<128x200xf32>
    %get3A_46 = arith.constant 0 : index
    %get3A_47 = arith.constant 0 : index
    %get3A_48 = vector.load %arg8[%get3A_46, %get3A_47] : memref<128x200xf32, #tpu.memory_space<vmem>>, vector<128x200xf32>
    %mul3A_49 = arith.mulf %get3A_48, %exp3A : vector<128x200xf32>
    %add3A_50 = arith.addf %slice3A, %mul3A_49 : vector<128x200xf32>
    %swap3A = arith.constant 0 : index
    %swap3A_51 = arith.constant 0 : index
    %swap3A_52 = vector.load %arg12[%swap3A, %swap3A_51] : memref<128x200xf32, #tpu.memory_space<vmem>>, vector<128x200xf32>
    tpu.vector_store %arg12[%swap3A, %swap3A_51], %add3A_50 {strides = array<i32>} : memref<128x200xf32, #tpu.memory_space<vmem>>, vector<128x200xf32>,
    %mul3A_53 = arith.mulf %add3A_50, %add3A_50 : vector<128x200xf32>
    %reduce_sum3A_54 = arith.constant dense<0.000000e+00> : vector<128xf32>
    %reduce_sum3A_55 = vector.multi_reduction <add>, %mul3A_53, %reduce_sum3A_54 [1] : vector<128x200xf32> to vector<128xf32>
    %broadcast_in_dim3A_56 = vector.shape_cast %reduce_sum3A_55 : vector<128xf32> to vector<128x1xf32>
    %sqrt3A_57 = math.sqrt %broadcast_in_dim3A_56 : vector<128x1xf32>
    %max3A_58 = arith.constant 9.99999996E-13 : f32
    %max3A_59 = vector.broadcast %max3A_58 : f32 to vector<128x1xf32>
    %max3A_60 = arith.maximumf %sqrt3A_57, %max3A_59 : vector<128x1xf32>
    %div3A_61 = arith.constant 5.000000e+00 : f32
    %div3A_62 = vector.broadcast %div3A_61 : f32 to vector<128x1xf32>
    %div3A_63 = arith.divf %div3A_62, %max3A_60 : vector<128x1xf32>
    %mul3A_64 = vector.broadcast %div3A_63 : vector<128x1xf32> to vector<128x200xf32>
    %mul3A_65 = arith.mulf %add3A_50, %mul3A_64 : vector<128x200xf32>
    %convert_element_type3A_66 = arith.truncf %mul3A_65 : vector<128x200xf32> to vector<128x200xbf16>
    %get3A_67 = arith.constant 0 : index
    %get3A_68 = arith.constant 0 : index
    %get3A_69 = vector.load %arg7[%get3A_67, %get3A_68] : memref<200x8192xbf16, #tpu.memory_space<vmem>>, vector<200x8192xbf16>
    %dot_general3A_70 = arith.constant dense<0.000000e+00> : vector<128x8192xf32>
    %dot_general3A_71 = tpu.matmul %convert_element_type3A_66, %get3A_69, %dot_general3A_70 {dimension_numbers = #tpu.dot_dimension_numbers<[1], [0], [0], [1], [0, 0, 1, 1], [], []>, transpose_lhs_hint = false} : vector<128x200xbf16>, vector<200x8192xbf16>, vector<128x8192xf32> -> vector<128x8192xf32>
    %swap3A_72 = arith.constant 0 : index
    %swap3A_73 = arith.constant 0 : index
    %swap3A_74 = vector.load %arg13[%swap3A_72, %swap3A_73] : memref<128x8192xf32, #tpu.memory_space<vmem>>, vector<128x8192xf32>
    tpu.vector_store %arg13[%swap3A_72, %swap3A_73], %dot_general3A_71 {strides = array<i32>} : memref<128x8192xf32, #tpu.memory_space<vmem>>, vector<128x8192xf32>,
    %mul3A_75 = arith.mulf %exp3A, %exp3A : vector<128x200xf32>
    %mul3A_76 = arith.mulf %slice3A, %slice3A : vector<128x200xf32>
    %add3A_77 = arith.addf %mul3A_76, %mul3A_75 : vector<128x200xf32>
    %sub3A = arith.constant 1.000000e+00 : f32
    %sub3A_78 = vector.broadcast %sub3A : f32 to vector<128x200xf32>
    %sub3A_79 = arith.subf %add3A_77, %sub3A_78 : vector<128x200xf32>
    %sub3A_80 = arith.subf %sub3A_79, %slice3A_42 : vector<128x200xf32>
    %reduce_sum3A_81 = vector.shape_cast %sub3A_80 : vector<128x200xf32> to vector<1x128x200xf32>
    %reduce_sum3A_82 = arith.constant dense<0.000000e+00> : vector<1xf32>
    %reduce_sum3A_83 = vector.multi_reduction <add>, %reduce_sum3A_81, %reduce_sum3A_82 [1, 2] : vector<1x128x200xf32> to vector<1xf32>
    %reduce_sum3A_84 = vector.shape_cast %reduce_sum3A_83 : vector<1xf32> to vector<1x1x1xf32>
    %reduce_sum3A_85 = vector.extract %reduce_sum3A_84[0, 0, 0] : f32 from vector<1x1x1xf32>
    %eq3A = arith.constant 0 : i32
    %eq3A_86 = arith.cmpi eq, %arg0, %eq3A : i32
    %get3A_87 = arith.constant 0 : index
    %get3A_88 = arith.constant 0 : index
    %get3A_89 = memref.load %arg15[%get3A_87, %get3A_88] : memref<1x1xf32, #tpu.memory_space<smem>>
    %jit3A_90 = arith.constant 0.000000e+00 : f32
    %select_n3A_91 = arith.select %eq3A_86, %jit3A_90, %get3A_89 : f32
    %add3A_92 = arith.addf %select_n3A_91, %reduce_sum3A_85 : f32
    %swap3A_93 = arith.constant 0 : index
    %swap3A_94 = arith.constant 0 : index
    %swap3A_95 = memref.load %arg15[%swap3A_93, %swap3A_94] : memref<1x1xf32, #tpu.memory_space<smem>>
    memref.store %add3A_92, %arg15[%swap3A_93, %swap3A_94] : memref<1x1xf32, #tpu.memory_space<smem>>
    %get3A_96 = arith.constant 0 : index
    %get3A_97 = arith.constant 0 : index
    %get3A_98 = arith.constant 0 : index
    %get3A_99 = vector.load %arg9[%get3A_96, %get3A_97, %get3A_98] : memref<1x1x128xf32, #tpu.memory_space<vmem>>, vector<1x1x128xf32>
    %mul3A_100 = arith.constant 4.8828125E-4 : f32
    %mul3A_101 = arith.mulf %add3A_92, %mul3A_100 : f32
    %broadcast_in_dim3A_102 = vector.broadcast %mul3A_101 : f32 to vector<1x1x128xf32>
    %add3A_103 = arith.addf %get3A_99, %broadcast_in_dim3A_102 : vector<1x1x128xf32>
    %swap3A_104 = arith.constant 0 : index
    %swap3A_105 = arith.constant 0 : index
    %swap3A_106 = arith.constant 0 : index
    %swap3A_107 = vector.load %arg14[%swap3A_104, %swap3A_105, %swap3A_106] : memref<1x1x128xf32, #tpu.memory_space<vmem>>, vector<1x1x128xf32>
    tpu.vector_store %arg14[%swap3A_104, %swap3A_105, %swap3A_106], %add3A_103 {strides = array<i32>} : memref<1x1x128xf32, #tpu.memory_space<vmem>>, vector<1x1x128xf32>,
    return
  }
  func.func @transform_0(%arg0: i32) -> (i32, i32) {
    %c0_i32 = arith.constant 0 : i32
    %c0_i32_0 = arith.constant 0 : i32
    return %arg0, %c0_i32 : i32, i32
  }
  func.func @transform_1(%arg0: i32) -> (i32, i32) {
    %add3A = arith.constant 2 : i32
    %add3A_0 = arith.addi %arg0, %add3A : i32
    %c0_i32 = arith.constant 0 : i32
    %c0_i32_1 = arith.constant 0 : i32
    return %add3A_0, %c0_i32 : i32, i32
  }
  func.func @transform_2(%arg0: i32) -> (i32, i32) {
    %c0_i32 = arith.constant 0 : i32
    %c0_i32_0 = arith.constant 0 : i32
    %c0_i32_1 = arith.constant 0 : i32
    return %c0_i32, %c0_i32_0 : i32, i32
  }
  func.func @transform_3(%arg0: i32) -> (i32, i32) {
    %c0_i32 = arith.constant 0 : i32
    %c0_i32_0 = arith.constant 0 : i32
    %c0_i32_1 = arith.constant 0 : i32
    return %c0_i32, %c0_i32_0 : i32, i32
  }
  func.func @transform_4(%arg0: i32) -> (i32, i32) {
    %c0_i32 = arith.constant 0 : i32
    %c0_i32_0 = arith.constant 0 : i32
    %c0_i32_1 = arith.constant 0 : i32
    return %c0_i32, %c0_i32_0 : i32, i32
  }
  func.func @transform_5(%arg0: i32) -> (i32, i32) {
    %c0_i32 = arith.constant 0 : i32
    %c0_i32_0 = arith.constant 0 : i32
    %c0_i32_1 = arith.constant 0 : i32
    return %c0_i32, %c0_i32_0 : i32, i32
  }
  func.func @transform_6(%arg0: i32) -> (i32, i32) {
    %c0_i32 = arith.constant 0 : i32
    %c0_i32_0 = arith.constant 0 : i32
    %c0_i32_1 = arith.constant 0 : i32
    return %c0_i32, %c0_i32_0 : i32, i32
  }
  func.func @transform_7(%arg0: i32) -> (i32, i32) {
    %add3A = arith.constant 2 : i32
    %add3A_0 = arith.addi %arg0, %add3A : i32
    %c0_i32 = arith.constant 0 : i32
    %c0_i32_1 = arith.constant 0 : i32
    return %add3A_0, %c0_i32 : i32, i32
  }
  func.func @transform_8(%arg0: i32) -> (i32, i32, i32) {
    %c0_i32 = arith.constant 0 : i32
    %c0_i32_0 = arith.constant 0 : i32
    %c0_i32_1 = arith.constant 0 : i32
    %c0_i32_2 = arith.constant 0 : i32
    return %c0_i32, %c0_i32_0, %c0_i32_1 : i32, i32, i32
  }
  func.func @transform_11(%arg0: i32) -> (i32, i32) {
    %add3A = arith.constant 2 : i32
    %add3A_0 = arith.addi %arg0, %add3A : i32
    %c0_i32 = arith.constant 0 : i32
    %c0_i32_1 = arith.constant 0 : i32
    return %add3A_0, %c0_i32 : i32, i32
  }
  func.func @transform_12(%arg0: i32) -> (i32, i32) {
    %add3A = arith.constant 2 : i32
    %add3A_0 = arith.addi %arg0, %add3A : i32
    %c0_i32 = arith.constant 0 : i32
    %c0_i32_1 = arith.constant 0 : i32
    return %add3A_0, %c0_i32 : i32, i32
  }
  func.func @transform_13(%arg0: i32) -> (i32, i32, i32) {
    %c0_i32 = arith.constant 0 : i32
    %c0_i32_0 = arith.constant 0 : i32
    %c0_i32_1 = arith.constant 0 : i32
    %c0_i32_2 = arith.constant 0 : i32
    return %c0_i32, %c0_i32_0, %c0_i32_1 : i32, i32, i32
  }
}

</mosaic_0001>

<sc_bundles>
// kernel: kernel.10.cloned.1.call-start
scs
__scs_entry_jumppad:
0x0: {  	(pc) =	sbr.rel $0x88, $3  }
0x1: {  	(tag) =	ssettag $0x0;
	lr =	simm.s32 $0x1  }
0x2: {  	[smem:$0x3F98] =	sst lr;
	_ =	strace $0xD0000000  }
0x3: {  	_ = 	snop  }
0x4: {  	_ = 	snop  }
0x5: {  	_ = 	snop  }
0x6: {  	_ = 	snop  }
0x7: {  	_ = 	snop  }
__scs_overlays_trampoline_lowered:
0x8: {  	[smem:$0x3FA7] =	sst s0  }
0x9: {  	[smem:$0x3FA8] =	sst s1  }
0xa: {  	[smem:$0x3FA9] =	sst s2  }
0xb: {  	[smem:$0x3FAA] =	sst s3  }
0xc: {  	[smem:$0x3FAB] =	sst s4  }
0xd: {  	[smem:$0x3FAC] =	sst s5  }
0xe: {  	[smem:$0x3FAD] =	sst s6  }
0xf: {  	[smem:$0x3FAE] =	sst s7  }
0x10: {  	[smem:$0x3FAF] =	sst s8  }
0x11: {  	[smem:$0x3FB0] =	sst s9;
	s0 =	simm.s32 @!p0 $0x0  }
0x12: {  	s1 =	sld [smem:$0x3F96];
	s0 =	simm.s32 @p0 $0x1  }
0x13: {  	[smem:$0x3FB1] =	sst s0;
	s0 =	simm.s32 @!p1 $0x0  }
0x14: {  	s2 =	sld [smem:$0x3F95];
	s0 =	simm.s32 @p1 $0x1  }
0x15: {  	[smem:$0x3FB2] =	sst s0;
	s0 =	simm.s32 @!p2 $0x0  }
0x16: {  	s3 =	sld [smem:$0x3FDB];
	s0 =	simm.s32 @p2 $0x1  }
0x17: {  	s4 =	simm.s32 $0x1BF5;
	[smem:$0x3FB4] =	sst s0  }
0x18: {  	s0 =	sld [smem:$0x3F97];
	_ =	swait.ge [sflag:s4], $0x0  }
0x19: {  	s7 =	sld [smem:$0x3F98]  }
0x1a: {  	s8 =	sadd.s32 $0xFFFFE003, lr  }
0x1b: {  	s9 =	sadd.s32 $0xFFFFFEF7, lr;
	s5 =	simm.s32 $0xFFFFFFFF;
	p2 =	slt.u32 s8, $0xFFFFF086  }
0x1c: {  	p1 =	slt.u32 s9, $0xF7A;
	s5 =	simm.s32 @!p2 $0x0  }
0x1d: {  	s5 =	simm.s32 @p1 $0x1;
	p0 =	seq.s32 s7, s2  }
0x1e: {  	s7 =	smul.u32 @!p0 $0xF7A, s2;
	p2 =	seq.s32 @!p0 s5, $0x0  }
0x1f: {  	s9 =	smul.u32 $0xF7A, s1;
	s8 =	simm.s32 @!p0 $0x1BF5;
	p2 =	por !p2, p0  }
0x20: {  	[sflag:s8] =	ssyncset.s32 @!p0 $0xFFFFF086;
	s6 =	sadd.s32 @!p0 s3, s7;
	s7 =	simm.s32 @!p0 $0x108  }
0x21: {  	s3 =	sadd.s32 s3, s9;
	s6 =	sadd.s32 @!p0 $0x88, s6;
	s7 =	simm.s32 @p2 $0x1082  }
0x22: {  	[simem:s7], [sflag:s8] =	dma.local @!p0 [hbm:s6], $0xF7A  }
0x23: {  	s9 =	sor.u32 $0xD0000000, s2;
	s6 =	simm.s32 $0x108;
	_ =	swait.ge @!p0 [sflag:s8], $0x0  }
0x24: {  	s3 =	sadd.s32 $0x88, s3;
	s6 =	simm.s32 @!p1 $0x1082;
	[sflag:s4] =	ssyncset.s32 $0xFFFFF086  }
0x25: {  	[simem:s6], [sflag:s4] =	dma.local [hbm:s3], $0xF7A  }
0x26: {  	[smem:$0x3F98] =	sst s1;
	(tag) =	ssettag s2;
	_ =	strace s9  }
0x27: {  	s1 =	sld [smem:$0x3FA8]  }
0x28: {  	s2 =	sld [smem:$0x3FA9]  }
0x29: {  	s4 =	sld [smem:$0x3FAB]  }
0x2a: {  	p0 =	seq.s32 s5, $0x0;
	s5 =	sld [smem:$0x3FAC]  }
0x2b: {  	s6 =	sld [smem:$0x3FAD]  }
0x2c: {  	s7 =	sld [smem:$0x3FAE]  }
0x2d: {  	s3 =	simm.s32 $0x108;
	s8 =	sld [smem:$0x3FAF]  }
0x2e: {  	s3 =	simm.s32 @!p0 $0x1082;
	s9 =	sld [smem:$0x3FB0]  }
0x2f: {  	lr =	sadd.s32 s0, s3;
	s0 =	sld [smem:$0x3FA7]  }
0x30: {  	s3 =	sld [smem:$0x3FAA]  }
0x31: {  	[smem:$0x3FB3] =	sst s10  }
0x32: {  	s10 =	sld [smem:$0x3FB1];
	_ =	sdelay $0x3  }
0x33: {  	p0 =	seq.s32 s10, $0x1;
	s10 =	sld [smem:$0x3FB3];
	_ =	sdelay $0x3  }
0x34: {  	[smem:$0x3FB3] =	sst s10  }
0x35: {  	s10 =	sld [smem:$0x3FB2];
	_ =	sdelay $0x3  }
0x36: {  	p1 =	seq.s32 s10, $0x1;
	s10 =	sld [smem:$0x3FB3];
	_ =	sdelay $0x3  }
0x37: {  	[smem:$0x3FB3] =	sst s10  }
0x38: {  	s10 =	sld [smem:$0x3FB4]  }
0x39: {  	_ = 	snop;
	(pc) =	sbr.ind lr, $3  }
0x3a: {  	_ = 	snop  }
0x3b: {  	_ = 	snop  }
0x3c: {  	p2 =	seq.s32 s10, $0x1;
	s10 =	sld [smem:$0x3FB3]  }
0x3d: {  	_ =	shalt  }
0x3e: {  	_ =	shalt  }
0x3f: {  	_ =	shalt  }
0x40: {  	_ =	shalt  }
0x41: {  	_ =	shalt  }
0x42: {  	_ =	shalt  }
0x43: {  	_ =	shalt  }
0x44: {  	_ =	shalt  }
0x45: {  	_ =	shalt  }
0x46: {  	_ =	shalt  }
0x47: {  	_ =	shalt  }
0x48: {  	_ =	shalt  }
0x49: {  	_ =	shalt  }
0x4a: {  	_ =	shalt  }
0x4b: {  	_ =	shalt  }
0x4c: {  	_ =	shalt  }
0x4d: {  	_ =	shalt  }
0x4e: {  	_ =	shalt  }
0x4f: {  	_ =	shalt  }
0x50: {  	_ =	shalt  }
0x51: {  	_ =	shalt  }
0x52: {  	_ =	shalt  }
0x53: {  	_ =	shalt  }
0x54: {  	_ =	shalt  }
0x55: {  	_ =	shalt  }
0x56: {  	_ =	shalt  }
0x57: {  	_ =	shalt  }
0x58: {  	_ =	shalt  }
0x59: {  	_ =	shalt  }
0x5a: {  	_ =	shalt  }
0x5b: {  	_ =	shalt  }
0x5c: {  	_ =	shalt  }
0x5d: {  	_ =	shalt  }
0x5e: {  	_ =	shalt  }
0x5f: {  	_ =	shalt  }
0x60: {  	_ =	shalt  }
0x61: {  	_ =	shalt  }
0x62: {  	_ =	shalt  }
0x63: {  	_ =	shalt  }
0x64: {  	_ =	shalt  }
0x65: {  	_ =	shalt  }
0x66: {  	_ =	shalt  }
0x67: {  	_ =	shalt  }
0x68: {  	_ =	shalt  }
0x69: {  	_ =	shalt  }
0x6a: {  	_ =	shalt  }
0x6b: {  	_ =	shalt  }
0x6c: {  	_ =	shalt  }
0x6d: {  	_ =	shalt  }
0x6e: {  	_ =	shalt  }
0x6f: {  	_ =	shalt  }
0x70: {  	_ =	shalt  }
0x71: {  	_ =	shalt  }
0x72: {  	_ =	shalt  }
0x73: {  	_ =	shalt  }
0x74: {  	_ =	shalt  }
0x75: {  	_ =	shalt  }
0x76: {  	_ =	shalt  }
0x77: {  	_ =	shalt  }
0x78: {  	_ =	shalt  }
0x79: {  	_ =	shalt  }
0x7a: {  	_ =	shalt  }
0x7b: {  	_ =	shalt  }
0x7c: {  	_ =	shalt  }
0x7d: {  	_ =	shalt  }
0x7e: {  	_ =	shalt  }
0x7f: {  	_ =	shalt  }
0x80: {  	_ =	shalt  }
0x81: {  	_ =	shalt  }
0x82: {  	_ =	shalt  }
0x83: {  	_ =	shalt  }
0x84: {  	_ =	shalt  }
0x85: {  	_ =	shalt  }
0x86: {  	_ =	shalt  }
0x87: {  	_ =	shalt  }
.Lfunc_end0:
.L_simem_size_0:
called_computation.1_lowered:
.L_overlay_start_0:
0x88: {  	s2 =	sld [smem:$0x3FD9]  }
0x89: {  	s3 =	sld [smem:$0x3FFE];
	_ =	sdelay $0x1  }
0x8a: {  	s1 =	srdreg.scid  }
0x8b: {  	s0 =	sand.u32 $0x1, s1  }
0x8c: {  	s15 =	sshll.u32 s0, $0xA;
	s2 =	sadd.s32 s3, s2  }
0x8d: {  	s2 =	sadd.s32 s2, s15  }
0x8e: {  	[smem:$0x3FBF] =	sst s2  }
0x8f: {  	_ = 	snop  }
0x90: {  	s16 =	sld [smem:$0x3FD0];
	_ =	sdelay $0x2  }
0x91: {  	s4 =	simm.s32 $0xB;
	s5 =	simm.s32 $0x10;
	s2 =	sld [smem:$0x3FC7]  }
0x92: {  	[smem:s5], [sflag:s4] =	dma.local [hbm:s16], $0x1  }
0x93: {  	_ =	swait.eq [sflag:s4], $0x1  }
0x94: {  	[sflag:s4] =	ssyncset.done $0x0  }
0x95: {  	[sflag:s4] =	ssyncadd.s32 $0xFFFFFFFF  }
0x96: {  	s17 =	sld [smem:$0x10];
	(tm) =	ssettm $0x1  }
0x97: {  	s18 =	sld [smem:$0x3FFB];
	_ =	sdelay $0x3  }
0x98: {  	_ =	strace s18  }
0x99: {  	s3 =	sld [smem:$0x3FFC];
	_ =	sdelay $0x3  }
0x9a: {  	_ =	strace s3  }
0x9b: {  	s3 =	sld [smem:$0x3FFD];
	_ =	sdelay $0x3  }
0x9c: {  	_ =	strace s3  }
0x9d: {  	_ =	strace $0x8FFFFFFF  }
0x9e: {  	s19 =	sld [smem:$0x3FDB];
	_ =	sdelay $0x1  }
0x9f: {  	s20 =	simm.s32 $_scs_section_size  }
0xa0: {  	s6 =	simm.s32 $_size__tile_overlayer_lowered;
	s7 =	simm.s32 $_tile_overlayer_lowered  }
0xa1: {  	s8 =	simm.s32 $0x1BFF;
	s21 =	sshll.u32 s7, $0x1;
	s5 =	sadd.s32 s20, s19  }
0xa2: {  	s22 =	simm.s32 $0x0;
	s6 =	sshll.u32 s6, $0x1;
	s7 =	sadd.s32 s21, s5  }
0xa3: {  	[timem:s22], [sflag:s8] =	dma.local [hbm:s7], s6  }
0xa4: {  	_ =	swait.ge [sflag:s8], s6  }
0xa5: {  	s6 =	ssub.s32 $0x0, s6;
	[sflag:s8] =	ssyncset.done $0x0  }
0xa6: {  	[sflag:s8] =	ssyncadd.s32 s6;
	_ =	sdelay $0x1  }
0xa7: {  	s23 =	simm.s32 $0x1B8B  }
0xa8: {  	_ =	swait.ge [sflag:s23], $0x1  }
0xa9: {  	[sflag:s23] =	ssyncset.done $0x0  }
0xaa: {  	[sflag:s23] =	ssyncadd.s32 $0xFFFFFFFF  }
0xab: {  	s6 =	sld [smem:$0x0]  }
0xac: {  	s7 =	sand.u32 $0xFFFFFFFE, s1  }
0xad: {  	p0 =	sne.s32 s1, s7  }
0xae: {  	s7 =	sshll.u32 @p0 s7, $0xE  }
0xaf: {  	s7 =	sadd.s32 @p0 $0x11B8D, s7;
	s8 =	sshll.u32 @p0 s6, $0x11  }
0xb0: {  	s7 =	sor.u32 @p0 s8, s7  }
0xb1: {  	[sflag:s7] =	ssyncadd.remote.s32 @p0 $0x1;
	_ =	sdelay $0x1  }
0xb2: {  	s7 =	simm.s32 @p0 $0x1B8D  }
0xb3: {  	_ =	swait.eq @p0 [sflag:s7], $0x1  }
0xb4: {  	[sflag:s7] =	ssyncadd.s32 @p0 $0xFFFFFFFF  }
0xb5: {  	s8 =	sshll.u32 @!p0 s1, $0xE  }
0xb6: {  	s8 =	sor.u32 @!p0 $0x4000, s8;
	s7 =	simm.s32 @!p0 $0x1B8D  }
0xb7: {  	s6 =	sshll.u32 @!p0 s6, $0x11;
	s8 =	sadd.s32 @!p0 $0x11B8D, s8;
	_ =	swait.eq @!p0 [sflag:s7], $0x1  }
0xb8: {  	s6 =	sor.u32 @!p0 s6, s8;
	[sflag:s7] =	ssyncadd.s32 @!p0 $0xFFFFFFFF  }
0xb9: {  	s25 =	simm.s32 $0x1B8E;
	s24 =	sld [smem:$0x3FFE];
	[sflag:s6] =	ssyncadd.remote.s32 @!p0 $0x1  }
0xba: {  	s26 =	simm.s32 $execute0_lowered;
	[smem:$0x3FD2] =	sst s25  }
0xbb: {  	s7 =	sshll.u32 s26, $0x1;
	_ =	strace $0x80000049;
	[dreg:$0x1] =	wrdreg $0xFFFFFFFF  }
0xbc: {  	s28 =	simm.s32 $_size_execute0_lowered;
	s5 =	sadd.s32 s5, s7;
	[dreg:$0x0] =	wrdreg $0x0  }
0xbd: {  	s7 =	sshll.u32 s28, $0x1;
	[dreg:$0x2] =	wrdreg s5  }
0xbe: {  	[dreg:$0x3] =	wrdreg s7  }
0xbf: {  	[dreg:$0x4] =	wrdreg $0xC0  }
0xc0: {  	_ =	task [dreg:s22], $0x5FFFF  }
0xc1: {  	[dreg:$0x1] =	wrdreg $0xFFFFFFFF  }
0xc2: {  	[dreg:$0x0] =	wrdreg $0x60  }
0xc3: {  	[dreg:$0x2] =	wrdreg s2  }
0xc4: {  	[dreg:$0x3] =	wrdreg s17  }
0xc5: {  	[dreg:$0x4] =	wrdreg s24  }
0xc6: {  	[dreg:$0x5] =	wrdreg $0xA  }
0xc7: {  	_ =	task.clear_ibuf [dreg:s22], $0x6FFFF;
	_ =	strace $0x90000049  }
0xc8: {  	s29 =	simm.s32 $0xA;
	_ =	strace $0x8000004B  }
0xc9: {  	_ =	swait.ge [sflag:s29], $0x1  }
0xca: {  	[sflag:s29] =	ssyncadd.s32 $0xFFFFFFFF  }
0xcb: {  	_ =	strace $0x9000004B  }
0xcc: {  	_ =	sfence  }
0xcd: {  	s30 =	sld [smem:$0x0];
	_ =	sdelay $0x2  }
0xce: {  	s31 =	sshll.u32 s1, $0xD;
	s1 =	sshrl.u32 s1, $0x2  }
0xcf: {  	s4 =	sand.u32 $0x4000, s31;
	s1 =	sadd.s32 s1, s30  }
0xd0: {  	s0 =	sor.u32 s4, s0;
	s1 =	sshll.u32 s1, $0x11  }
0xd1: {  	s0 =	sor.u32 s1, s0  }
0xd2: {  	s0 =	sadd.s32 $0x8F2B, s0  }
0xd3: {  	[sflag:s0] =	ssyncadd.remote.s32 $0x1  }
0xd4: {  	_ =	sfence.sel $0xFFFF  }
0xd5: {  	[dreg:$0x0] =	wrdreg $0xFFFFFFFF;
	(pc) =	sbr.abs _section_cstart, $3  }
0xd6: {  	[dreg:$0x1] =	wrdreg $0xFFFFFFFF  }
0xd7: {  	_ =	task.clear_ibuf [dreg:s22], $0x2FFFF;
	_ =	strace $0x9FFFFFFF  }
0xd8: {  	(tm) =	ssettm $0x7FFFFFFF  }
0xd9: {  	_ =	shalt  }
tec
execute0_lowered:
.L_overlay_start_1:
0x0: {  	(tag) =	ssettag $0x1  }
0x1: {  	s7 =	rddreg [dreg:$0x0]  }
0x2: {  	s0 =	rddreg [dreg:$0x1];
	s3 =	stileid.u32  }
0x3: {  	s2 =	rddreg [dreg:$0x2];
	s4 =	sshll.u32 s3, $0x1;
	s3 =	simm.s32 $0x0  }
0x4: {  	s23 =	sadd.s32 $0x100, s7;
	[smem:$0x7FF] =	sst s3  }
0x5: {  	s24 =	sadd.s32 $0x200, s7;
	_ =	strace $0x8000004A;
	[dreg:$0x8] =	wrdreg s23  }
0x6: {  	s25 =	sadd.s32 $0x300, s7;
	[dreg:$0x9] =	wrdreg s24  }
0x7: {  	s26 =	sadd.s32 $0x400, s7;
	[dreg:$0xa] =	wrdreg s25  }
0x8: {  	s28 =	sadd.s32 $0x500, s7;
	[dreg:$0xb] =	wrdreg s26  }
0x9: {  	s29 =	sadd.s32 $0x600, s7;
	[dreg:$0xc] =	wrdreg s28  }
0xa: {  	s30 =	sadd.s32 $0x700, s7;
	[dreg:$0xd] =	wrdreg s29  }
0xb: {  	s31 =	sadd.s32 $0x800, s7;
	[dreg:$0xe] =	wrdreg s30  }
0xc: {  	s8 =	sadd.s32 $0xB00, s7;
	[dreg:$0xf] =	wrdreg s31  }
0xd: {  	s9 =	sadd.s32 $0xC00, s7;
	[dreg:$0x12] =	wrdreg s8  }
0xe: {  	s11 =	sadd.s32 $0xD00, s7;
	[dreg:$0x13] =	wrdreg s9  }
0xf: {  	s12 =	sadd.s32 $0xE00, s7;
	[dreg:$0x14] =	wrdreg s11  }
0x10: {  	s13 =	sadd.s32 $0xF00, s7;
	[dreg:$0x15] =	wrdreg s12  }
0x11: {  	s14 =	sadd.s32 $0x1000, s7;
	[dreg:$0x16] =	wrdreg s13  }
0x12: {  	s15 =	sadd.s32 $0x1100, s7;
	[dreg:$0x17] =	wrdreg s14  }
0x13: {  	s16 =	sadd.s32 $0x1200, s7;
	[dreg:$0x18] =	wrdreg s15  }
0x14: {  	s18 =	sadd.s32 $0x1300, s7;
	[dreg:$0x19] =	wrdreg s16  }
0x15: {  	s19 =	sadd.s32 $0x1400, s7;
	[dreg:$0x1a] =	wrdreg s18  }
0x16: {  	s20 =	sadd.s32 $0x1500, s7;
	[dreg:$0x1b] =	wrdreg s19  }
0x17: {  	s21 =	sadd.s32 $0x1600, s7;
	[dreg:$0x1c] =	wrdreg s20  }
0x18: {  	s22 =	sadd.s32 $0x1700, s7;
	[dreg:$0x1d] =	wrdreg s21  }
0x19: {  	s1 =	srdreg.scid;
	[dreg:$0x1e] =	wrdreg s22;
	s23 =	sadd.s32 $0x1800, s7  }
0x1a: {  	s1 =	sand.u32 $0x1, s1;
	s24 =	sadd.s32 $0x1900, s7;
	[dreg:$0x1f] =	wrdreg s23  }
0x1b: {  	s2 =	sadd.s32 $0x2200, s2;
	s25 =	sadd.s32 $0x1A00, s7;
	[smem:$0x7F7] =	sst s24  }
0x1c: {  	s4 =	sor.u32 s1, s4;
	s26 =	sadd.s32 $0x1B00, s7;
	[smem:$0x7F8] =	sst s25  }
0x1d: {  	s1 =	ssub.s32 $0x2, s1;
	s28 =	sadd.s32 $0x1C00, s7;
	[smem:$0x7F9] =	sst s26  }
0x1e: {  	s5 =	smul.u32 $0x3, s4;
	s29 =	sadd.s32 $0x1D00, s7;
	[smem:$0x7FA] =	sst s28  }
0x1f: {  	s6 =	sshrl.u32 s1, $0x1;
	s30 =	sadd.s32 $0x1E00, s7;
	[smem:$0x7FB] =	sst s29  }
0x20: {  	s10 =	smul.u32 $0x30000, s4;
	s31 =	sadd.s32 $0x1F00, s7;
	[smem:$0x7FC] =	sst s30  }
0x21: {  	s1 =	ssub.s32 s1, s6;
	s6 =	sadd.s32 $0xA00, s7;
	[smem:$0x7FD] =	sst s31  }
0x22: {  	s4 =	smul.u32 $0x6000, s4;
	s0 =	sadd.s32 s0, s5;
	[dreg:$0x11] =	wrdreg s6  }
0x23: {  	s5 =	sadd.s32 $0x900, s7;
	[dreg:$0x4] =	wrdreg s0;
	s0 =	sshrl.u32 s10, $0x3  }
0x24: {  	s4 =	sadd.s32 s2, s4;
	[dreg:$0x10] =	wrdreg s5;
	s0 =	sadd.s32 s2, s0  }
0x25: {  	v0 =	vlaneseq.u32;
	[dreg:$0x5] =	wrdreg s4;
	s17 =	sadd.s32 $0x2000, s0  }
0x26: {  	v1 =	vshrl.u32 v0, $0x3;
	s0 =	sadd.s32 $0x4000, s0;
	[dreg:$0x6] =	wrdreg s17  }
0x27: {  	vm0 =	vmmov $0xffff;
	v0 =	vand.u32 $0x7, v0;
	v1 =	vmul.u32 $0x8, v1;
	s1 =	smax.u32 s1, $0x1;
	s5 =	simm.s32 $0x2;
	[dreg:$0x7] =	wrdreg s0  }
.LBB2_1:
0x28: {  	[smem:$0x7F6] =	sst s1  }
0x29: {  	s9 =	rddreg [dreg:$0x4]  }
0x2a: {  	[tilespmem:s3], [sflag:$0x2] =	stream.linear.gather [hbm4b:s9+s3], $0x18, $0x38;
	[tilespmem:$0x10080] =	vst v63  }
0x2b: {  	_ =	swait.ge [sflag:s5], $0x18  }
0x2c: {  	[sflag:s5] =	ssyncset.done $0x0  }
0x2d: {  	[sflag:s5] =	ssyncadd.s32 $0xFFFFFFE8  }
0x2e: {  	v2 =	vld.msk [tilespmem:$0x0], $0xff;
	_ =	sdelay $0x4  }
0x2f: {  	v3 =	vshll.u32 v2, $0x6  }
0x30: {  	v2 =	vand.u32 $0x7, v2;
	v3 =	vand.u32 $0xFFFFFE00, v3  }
0x31: {  	v2 =	vor.u32 v2, v3  }
0x32: {  	v2 =	vperm.xlane v2, v0;
	_ =	sdelay $0x1  }
0x33: {  	v2 =	vadd.s32 v1, v2;
	_ =	sdelay $0x3  }
0x34: {  	s0 =	simm.s32 $0x80;
	s10 =	rddreg [dreg:$0x0]  }
0x35: {  	[tilespmem:s0], [sflag:$0x1] =	stream.indirect_vreg.gather [hbm4b:s10+s3], $0x80, v2, vm0, $0xb8;
	[tilespmem:$0x10080] =	vst v63  }
0x36: {  	s17 =	simm.s32 $0x880;
	s11 =	rddreg [dreg:$0x8]  }
0x37: {  	[tilespmem:s17], [sflag:$0x1] =	stream.indirect_vreg.gather [hbm4b:s11+s3], $0x80, v2, vm0, $0xb8;
	[tilespmem:$0x10080] =	vst v63  }
0x38: {  	s18 =	simm.s32 $0x1080;
	s12 =	rddreg [dreg:$0x9]  }
0x39: {  	[tilespmem:s18], [sflag:$0x1] =	stream.indirect_vreg.gather [hbm4b:s12+s3], $0x80, v2, vm0, $0xb8;
	[tilespmem:$0x10080] =	vst v63  }
0x3a: {  	s19 =	simm.s32 $0x1880;
	s13 =	rddreg [dreg:$0xa]  }
0x3b: {  	[tilespmem:s19], [sflag:$0x1] =	stream.indirect_vreg.gather [hbm4b:s13+s3], $0x80, v2, vm0, $0xb8;
	[tilespmem:$0x10080] =	vst v63  }
0x3c: {  	s20 =	simm.s32 $0x2080;
	s14 =	rddreg [dreg:$0xb]  }
0x3d: {  	[tilespmem:s20], [sflag:$0x1] =	stream.indirect_vreg.gather [hbm4b:s14+s3], $0x80, v2, vm0, $0xb8;
	[tilespmem:$0x10080] =	vst v63  }
0x3e: {  	s21 =	simm.s32 $0x2880;
	s15 =	rddreg [dreg:$0xc]  }
0x3f: {  	[tilespmem:s21], [sflag:$0x1] =	stream.indirect_vreg.gather [hbm4b:s15+s3], $0x80, v2, vm0, $0xb8;
	[tilespmem:$0x10080] =	vst v63  }
0x40: {  	s22 =	simm.s32 $0x3080;
	s16 =	rddreg [dreg:$0xd]  }
0x41: {  	[tilespmem:s22], [sflag:$0x1] =	stream.indirect_vreg.gather [hbm4b:s16+s3], $0x80, v2, vm0, $0xb8;
	[tilespmem:$0x10080] =	vst v63  }
0x42: {  	s23 =	simm.s32 $0x3880;
	s17 =	rddreg [dreg:$0xe]  }
0x43: {  	[tilespmem:s23], [sflag:$0x1] =	stream.indirect_vreg.gather [hbm4b:s17+s3], $0x80, v2, vm0, $0xb8;
	[tilespmem:$0x10080] =	vst v63  }
0x44: {  	s24 =	simm.s32 $0x4080;
	s18 =	rddreg [dreg:$0xf]  }
0x45: {  	[tilespmem:s24], [sflag:$0x1] =	stream.indirect_vreg.gather [hbm4b:s18+s3], $0x80, v2, vm0, $0xb8;
	[tilespmem:$0x10080] =	vst v63  }
0x46: {  	s25 =	simm.s32 $0x4880;
	s19 =	rddreg [dreg:$0x10]  }
0x47: {  	[tilespmem:s25], [sflag:$0x1] =	stream.indirect_vreg.gather [hbm4b:s19+s3], $0x80, v2, vm0, $0xb8;
	[tilespmem:$0x10080] =	vst v63  }
0x48: {  	s26 =	simm.s32 $0x5080;
	s20 =	rddreg [dreg:$0x11]  }
0x49: {  	[tilespmem:s26], [sflag:$0x1] =	stream.indirect_vreg.gather [hbm4b:s20+s3], $0x80, v2, vm0, $0xb8;
	[tilespmem:$0x10080] =	vst v63  }
0x4a: {  	s28 =	simm.s32 $0x5880;
	s21 =	rddreg [dreg:$0x12]  }
0x4b: {  	[tilespmem:s28], [sflag:$0x1] =	stream.indirect_vreg.gather [hbm4b:s21+s3], $0x80, v2, vm0, $0xb8;
	[tilespmem:$0x10080] =	vst v63  }
0x4c: {  	s29 =	simm.s32 $0x6080;
	s22 =	rddreg [dreg:$0x13]  }
0x4d: {  	[tilespmem:s29], [sflag:$0x1] =	stream.indirect_vreg.gather [hbm4b:s22+s3], $0x80, v2, vm0, $0xb8;
	[tilespmem:$0x10080] =	vst v63  }
0x4e: {  	s30 =	simm.s32 $0x6880;
	s23 =	rddreg [dreg:$0x14]  }
0x4f: {  	[tilespmem:s30], [sflag:$0x1] =	stream.indirect_vreg.gather [hbm4b:s23+s3], $0x80, v2, vm0, $0xb8;
	[tilespmem:$0x10080] =	vst v63  }
0x50: {  	s31 =	simm.s32 $0x7080;
	s24 =	rddreg [dreg:$0x15]  }
0x51: {  	[tilespmem:s31], [sflag:$0x1] =	stream.indirect_vreg.gather [hbm4b:s24+s3], $0x80, v2, vm0, $0xb8;
	[tilespmem:$0x10080] =	vst v63  }
0x52: {  	s1 =	simm.s32 $0x7880;
	s26 =	rddreg [dreg:$0x16]  }
0x53: {  	[tilespmem:s1], [sflag:$0x1] =	stream.indirect_vreg.gather [hbm4b:s26+s3], $0x80, v2, vm0, $0xb8;
	[tilespmem:$0x10080] =	vst v63  }
0x54: {  	s2 =	simm.s32 $0x8080;
	s28 =	rddreg [dreg:$0x17]  }
0x55: {  	[tilespmem:s2], [sflag:$0x1] =	stream.indirect_vreg.gather [hbm4b:s28+s3], $0x80, v2, vm0, $0xb8;
	[tilespmem:$0x10080] =	vst v63  }
0x56: {  	s4 =	simm.s32 $0x8880;
	s29 =	rddreg [dreg:$0x18]  }
0x57: {  	[tilespmem:s4], [sflag:$0x1] =	stream.indirect_vreg.gather [hbm4b:s29+s3], $0x80, v2, vm0, $0xb8;
	[tilespmem:$0x10080] =	vst v63  }
0x58: {  	s6 =	simm.s32 $0x9080;
	s30 =	rddreg [dreg:$0x19]  }
0x59: {  	[tilespmem:s6], [sflag:$0x1] =	stream.indirect_vreg.gather [hbm4b:s30+s3], $0x80, v2, vm0, $0xb8;
	[tilespmem:$0x10080] =	vst v63  }
0x5a: {  	s7 =	simm.s32 $0x9880;
	s31 =	rddreg [dreg:$0x1a]  }
0x5b: {  	[tilespmem:s7], [sflag:$0x1] =	stream.indirect_vreg.gather [hbm4b:s31+s3], $0x80, v2, vm0, $0xb8;
	[tilespmem:$0x10080] =	vst v63  }
0x5c: {  	s9 =	simm.s32 $0xA080;
	s8 =	rddreg [dreg:$0x1b]  }
0x5d: {  	[tilespmem:s9], [sflag:$0x1] =	stream.indirect_vreg.gather [hbm4b:s8+s3], $0x80, v2, vm0, $0xb8;
	[tilespmem:$0x10080] =	vst v63  }
0x5e: {  	s10 =	rddreg [dreg:$0x1c];
	s25 =	simm.s32 $0xA880  }
0x5f: {  	[tilespmem:s25], [sflag:$0x1] =	stream.indirect_vreg.gather [hbm4b:s10+s3], $0x80, v2, vm0, $0xb8;
	[tilespmem:$0x10080] =	vst v63  }
0x60: {  	s2 =	rddreg [dreg:$0x1d];
	s4 =	simm.s32 $0xB080  }
0x61: {  	[tilespmem:s4], [sflag:$0x1] =	stream.indirect_vreg.gather [hbm4b:s2+s3], $0x80, v2, vm0, $0xb8;
	[tilespmem:$0x10080] =	vst v63  }
0x62: {  	s1 =	smov.u32 s2;
	s6 =	rddreg [dreg:$0x1e];
	s2 =	simm.s32 $0xB880  }
0x63: {  	[tilespmem:s2], [sflag:$0x1] =	stream.indirect_vreg.gather [hbm4b:s6+s3], $0x80, v2, vm0, $0xb8;
	[tilespmem:$0x10080] =	vst v63  }
0x64: {  	s7 =	rddreg [dreg:$0x1f];
	s8 =	simm.s32 $0xC080  }
0x65: {  	[tilespmem:s8], [sflag:$0x1] =	stream.indirect_vreg.gather [hbm4b:s7+s3], $0x80, v2, vm0, $0xb8;
	[tilespmem:$0x10080] =	vst v63  }
0x66: {  	s7 =	sld [smem:$0x7F7];
	_ =	sdelay $0x1  }
0x67: {  	s9 =	simm.s32 $0xC880;
	s8 =	sld [smem:$0x7F8]  }
0x68: {  	[tilespmem:s9], [sflag:$0x1] =	stream.indirect_vreg.gather [hbm4b:s7+s3], $0x80, v2, vm0, $0xb8;
	[tilespmem:$0x10080] =	vst v63  }
0x69: {  	s10 =	simm.s32 $0xD080;
	s6 =	sld [smem:$0x7F9]  }
0x6a: {  	[tilespmem:s10], [sflag:$0x1] =	stream.indirect_vreg.gather [hbm4b:s8+s3], $0x80, v2, vm0, $0xb8;
	[tilespmem:$0x10080] =	vst v63  }
0x6b: {  	s25 =	simm.s32 $0xD880;
	s10 =	sld [smem:$0x7FA]  }
0x6c: {  	[tilespmem:s25], [sflag:$0x1] =	stream.indirect_vreg.gather [hbm4b:s6+s3], $0x80, v2, vm0, $0xb8;
	[tilespmem:$0x10080] =	vst v63  }
0x6d: {  	s2 =	simm.s32 $0xE080;
	s25 =	sld [smem:$0x7FB]  }
0x6e: {  	[tilespmem:s2], [sflag:$0x1] =	stream.indirect_vreg.gather [hbm4b:s10+s3], $0x80, v2, vm0, $0xb8;
	[tilespmem:$0x10080] =	vst v63  }
0x6f: {  	s4 =	simm.s32 $0xE880  }
0x70: {  	[tilespmem:s4], [sflag:$0x1] =	stream.indirect_vreg.gather [hbm4b:s25+s3], $0x80, v2, vm0, $0xb8;
	[tilespmem:$0x10080] =	vst v63  }
0x71: {  	s4 =	sld [smem:$0x7FC];
	_ =	sdelay $0x1  }
0x72: {  	s0 =	sld [smem:$0x7FD];
	s9 =	simm.s32 $0xF080  }
0x73: {  	[tilespmem:s9], [sflag:$0x1] =	stream.indirect_vreg.gather [hbm4b:s4+s3], $0x80, v2, vm0, $0xb8;
	[tilespmem:$0x10080] =	vst v63  }
0x74: {  	s2 =	simm.s32 $0x1;
	s9 =	simm.s32 $0xF880  }
0x75: {  	[tilespmem:s9], [sflag:$0x1] =	stream.indirect_vreg.gather [hbm4b:s0+s3], $0x80, v2, vm0, $0xb8;
	[tilespmem:$0x10080] =	vst v63  }
0x76: {  	_ =	swait.ge [sflag:s2], $0x10000  }
0x77: {  	[sflag:s2] =	ssyncset.done $0x0  }
0x78: {  	s0 =	simm.s32 $0x80;
	s9 =	rddreg [dreg:$0x5];
	[sflag:s2] =	ssyncadd.s32 $0xFFFF0000  }
0x79: {  	[hbm4b:s9+s3] =	stream.linear.scatter [tilespmem:s0], [sflag:$0x2], $0x10000, $0x38;
	[tilespmem:$0x10080] =	vst v63  }
0x7a: {  	_ =	swait.ge [sflag:s5], $0x10000  }
0x7b: {  	[sflag:s5] =	ssyncset.done $0x0  }
0x7c: {  	[sflag:s5] =	ssyncadd.s32 $0xFFFF0000  }
0x7d: {  	v2 =	vld.msk [tilespmem:$0x8], $0xff;
	_ =	sdelay $0x4  }
0x7e: {  	v3 =	vshll.u32 v2, $0x6  }
0x7f: {  	v2 =	vand.u32 $0x7, v2;
	v3 =	vand.u32 $0xFFFFFE00, v3  }
0x80: {  	v2 =	vor.u32 v2, v3  }
0x81: {  	v2 =	vperm.xlane v2, v0;
	_ =	sdelay $0x1  }
0x82: {  	v2 =	vadd.s32 v1, v2;
	_ =	sdelay $0x3  }
0x83: {  	s9 =	rddreg [dreg:$0x0]  }
0x84: {  	[tilespmem:s0], [sflag:$0x1] =	stream.indirect_vreg.gather [hbm4b:s9+s3], $0x80, v2, vm0, $0xb8;
	[tilespmem:$0x10080] =	vst v63  }
0x85: {  	s9 =	simm.s32 $0x880  }
0x86: {  	[tilespmem:s9], [sflag:$0x1] =	stream.indirect_vreg.gather [hbm4b:s11+s3], $0x80, v2, vm0, $0xb8;
	[tilespmem:$0x10080] =	vst v63  }
0x87: {  	s9 =	simm.s32 $0x1080  }
0x88: {  	[tilespmem:s9], [sflag:$0x1] =	stream.indirect_vreg.gather [hbm4b:s12+s3], $0x80, v2, vm0, $0xb8;
	[tilespmem:$0x10080] =	vst v63  }
0x89: {  	s9 =	simm.s32 $0x1880  }
0x8a: {  	[tilespmem:s9], [sflag:$0x1] =	stream.indirect_vreg.gather [hbm4b:s13+s3], $0x80, v2, vm0, $0xb8;
	[tilespmem:$0x10080] =	vst v63  }
0x8b: {  	s9 =	simm.s32 $0x2080  }
0x8c: {  	[tilespmem:s9], [sflag:$0x1] =	stream.indirect_vreg.gather [hbm4b:s14+s3], $0x80, v2, vm0, $0xb8;
	[tilespmem:$0x10080] =	vst v63  }
0x8d: {  	s9 =	simm.s32 $0x2880  }
0x8e: {  	[tilespmem:s9], [sflag:$0x1] =	stream.indirect_vreg.gather [hbm4b:s15+s3], $0x80, v2, vm0, $0xb8;
	[tilespmem:$0x10080] =	vst v63  }
0x8f: {  	s9 =	simm.s32 $0x3080  }
0x90: {  	[tilespmem:s9], [sflag:$0x1] =	stream.indirect_vreg.gather [hbm4b:s16+s3], $0x80, v2, vm0, $0xb8;
	[tilespmem:$0x10080] =	vst v63  }
0x91: {  	s9 =	simm.s32 $0x3880  }
0x92: {  	[tilespmem:s9], [sflag:$0x1] =	stream.indirect_vreg.gather [hbm4b:s17+s3], $0x80, v2, vm0, $0xb8;
	[tilespmem:$0x10080] =	vst v63  }
0x93: {  	s9 =	simm.s32 $0x4080  }
0x94: {  	[tilespmem:s9], [sflag:$0x1] =	stream.indirect_vreg.gather [hbm4b:s18+s3], $0x80, v2, vm0, $0xb8;
	[tilespmem:$0x10080] =	vst v63  }
0x95: {  	s9 =	simm.s32 $0x4880  }
0x96: {  	[tilespmem:s9], [sflag:$0x1] =	stream.indirect_vreg.gather [hbm4b:s19+s3], $0x80, v2, vm0, $0xb8;
	[tilespmem:$0x10080] =	vst v63  }
0x97: {  	s9 =	simm.s32 $0x5080  }
0x98: {  	[tilespmem:s9], [sflag:$0x1] =	stream.indirect_vreg.gather [hbm4b:s20+s3], $0x80, v2, vm0, $0xb8;
	[tilespmem:$0x10080] =	vst v63  }
0x99: {  	s9 =	simm.s32 $0x5880  }
0x9a: {  	[tilespmem:s9], [sflag:$0x1] =	stream.indirect_vreg.gather [hbm4b:s21+s3], $0x80, v2, vm0, $0xb8;
	[tilespmem:$0x10080] =	vst v63  }
0x9b: {  	s9 =	simm.s32 $0x6080  }
0x9c: {  	[tilespmem:s9], [sflag:$0x1] =	stream.indirect_vreg.gather [hbm4b:s22+s3], $0x80, v2, vm0, $0xb8;
	[tilespmem:$0x10080] =	vst v63  }
0x9d: {  	s9 =	simm.s32 $0x6880  }
0x9e: {  	[tilespmem:s9], [sflag:$0x1] =	stream.indirect_vreg.gather [hbm4b:s23+s3], $0x80, v2, vm0, $0xb8;
	[tilespmem:$0x10080] =	vst v63  }
0x9f: {  	s9 =	simm.s32 $0x7080  }
0xa0: {  	[tilespmem:s9], [sflag:$0x1] =	stream.indirect_vreg.gather [hbm4b:s24+s3], $0x80, v2, vm0, $0xb8;
	[tilespmem:$0x10080] =	vst v63  }
0xa1: {  	s9 =	simm.s32 $0x7880  }
0xa2: {  	[tilespmem:s9], [sflag:$0x1] =	stream.indirect_vreg.gather [hbm4b:s26+s3], $0x80, v2, vm0, $0xb8;
	[tilespmem:$0x10080] =	vst v63  }
0xa3: {  	s9 =	simm.s32 $0x8080  }
0xa4: {  	[tilespmem:s9], [sflag:$0x1] =	stream.indirect_vreg.gather [hbm4b:s28+s3], $0x80, v2, vm0, $0xb8;
	[tilespmem:$0x10080] =	vst v63  }
0xa5: {  	s9 =	simm.s32 $0x8880  }
0xa6: {  	[tilespmem:s9], [sflag:$0x1] =	stream.indirect_vreg.gather [hbm4b:s29+s3], $0x80, v2, vm0, $0xb8;
	[tilespmem:$0x10080] =	vst v63  }
0xa7: {  	s9 =	simm.s32 $0x9080  }
0xa8: {  	[tilespmem:s9], [sflag:$0x1] =	stream.indirect_vreg.gather [hbm4b:s30+s3], $0x80, v2, vm0, $0xb8;
	[tilespmem:$0x10080] =	vst v63  }
0xa9: {  	s9 =	simm.s32 $0x9880  }
0xaa: {  	[tilespmem:s9], [sflag:$0x1] =	stream.indirect_vreg.gather [hbm4b:s31+s3], $0x80, v2, vm0, $0xb8;
	[tilespmem:$0x10080] =	vst v63  }
0xab: {  	s0 =	rddreg [dreg:$0x1b];
	s9 =	simm.s32 $0xA080  }
0xac: {  	[tilespmem:s9], [sflag:$0x1] =	stream.indirect_vreg.gather [hbm4b:s0+s3], $0x80, v2, vm0, $0xb8;
	[tilespmem:$0x10080] =	vst v63  }
0xad: {  	s9 =	rddreg [dreg:$0x1c];
	s0 =	simm.s32 $0xA880  }
0xae: {  	[tilespmem:s0], [sflag:$0x1] =	stream.indirect_vreg.gather [hbm4b:s9+s3], $0x80, v2, vm0, $0xb8;
	[tilespmem:$0x10080] =	vst v63  }
0xaf: {  	s9 =	simm.s32 $0xB080  }
0xb0: {  	[tilespmem:s9], [sflag:$0x1] =	stream.indirect_vreg.gather [hbm4b:s1+s3], $0x80, v2, vm0, $0xb8;
	[tilespmem:$0x10080] =	vst v63  }
0xb1: {  	s0 =	rddreg [dreg:$0x1e];
	s9 =	simm.s32 $0xB880  }
0xb2: {  	[tilespmem:s9], [sflag:$0x1] =	stream.indirect_vreg.gather [hbm4b:s0+s3], $0x80, v2, vm0, $0xb8;
	[tilespmem:$0x10080] =	vst v63  }
0xb3: {  	s9 =	simm.s32 $0xC080;
	s0 =	rddreg [dreg:$0x1f]  }
0xb4: {  	[tilespmem:s9], [sflag:$0x1] =	stream.indirect_vreg.gather [hbm4b:s0+s3], $0x80, v2, vm0, $0xb8;
	[tilespmem:$0x10080] =	vst v63  }
0xb5: {  	s9 =	simm.s32 $0xC880  }
0xb6: {  	[tilespmem:s9], [sflag:$0x1] =	stream.indirect_vreg.gather [hbm4b:s7+s3], $0x80, v2, vm0, $0xb8;
	[tilespmem:$0x10080] =	vst v63  }
0xb7: {  	s0 =	simm.s32 $0xD080  }
0xb8: {  	[tilespmem:s0], [sflag:$0x1] =	stream.indirect_vreg.gather [hbm4b:s8+s3], $0x80, v2, vm0, $0xb8;
	[tilespmem:$0x10080] =	vst v63  }
0xb9: {  	s9 =	simm.s32 $0xD880  }
0xba: {  	[tilespmem:s9], [sflag:$0x1] =	stream.indirect_vreg.gather [hbm4b:s6+s3], $0x80, v2, vm0, $0xb8;
	[tilespmem:$0x10080] =	vst v63  }
0xbb: {  	s0 =	simm.s32 $0xE080  }
0xbc: {  	[tilespmem:s0], [sflag:$0x1] =	stream.indirect_vreg.gather [hbm4b:s10+s3], $0x80, v2, vm0, $0xb8;
	[tilespmem:$0x10080] =	vst v63  }
0xbd: {  	s9 =	simm.s32 $0xE880  }
0xbe: {  	[tilespmem:s9], [sflag:$0x1] =	stream.indirect_vreg.gather [hbm4b:s25+s3], $0x80, v2, vm0, $0xb8;
	[tilespmem:$0x10080] =	vst v63  }
0xbf: {  	s0 =	simm.s32 $0xF080  }
0xc0: {  	[tilespmem:s0], [sflag:$0x1] =	stream.indirect_vreg.gather [hbm4b:s4+s3], $0x80, v2, vm0, $0xb8;
	[tilespmem:$0x10080] =	vst v63  }
0xc1: {  	s4 =	sld [smem:$0x7FD];
	_ =	sdelay $0x1  }
0xc2: {  	s9 =	simm.s32 $0xF880  }
0xc3: {  	[tilespmem:s9], [sflag:$0x1] =	stream.indirect_vreg.gather [hbm4b:s4+s3], $0x80, v2, vm0, $0xb8;
	[tilespmem:$0x10080] =	vst v63  }
0xc4: {  	_ =	swait.ge [sflag:s2], $0x10000  }
0xc5: {  	[sflag:s2] =	ssyncset.done $0x0  }
0xc6: {  	s1 =	simm.s32 $0x80;
	s0 =	rddreg [dreg:$0x6];
	[sflag:s2] =	ssyncadd.s32 $0xFFFF0000  }
0xc7: {  	[hbm4b:s0+s3] =	stream.linear.scatter [tilespmem:s1], [sflag:$0x2], $0x10000, $0x38;
	[tilespmem:$0x10080] =	vst v63  }
0xc8: {  	_ =	swait.ge [sflag:s5], $0x10000  }
0xc9: {  	[sflag:s5] =	ssyncset.done $0x0  }
0xca: {  	[sflag:s5] =	ssyncadd.s32 $0xFFFF0000  }
0xcb: {  	v2 =	vld.msk [tilespmem:$0x10], $0xff;
	_ =	sdelay $0x4  }
0xcc: {  	v3 =	vshll.u32 v2, $0x6  }
0xcd: {  	v2 =	vand.u32 $0x7, v2;
	v3 =	vand.u32 $0xFFFFFE00, v3  }
0xce: {  	v2 =	vor.u32 v2, v3  }
0xcf: {  	v2 =	vperm.xlane v2, v0;
	_ =	sdelay $0x1  }
0xd0: {  	v2 =	vadd.s32 v1, v2;
	_ =	sdelay $0x3  }
0xd1: {  	s0 =	rddreg [dreg:$0x0]  }
0xd2: {  	[tilespmem:s1], [sflag:$0x1] =	stream.indirect_vreg.gather [hbm4b:s0+s3], $0x80, v2, vm0, $0xb8;
	[tilespmem:$0x10080] =	vst v63  }
0xd3: {  	s9 =	simm.s32 $0x880  }
0xd4: {  	[tilespmem:s9], [sflag:$0x1] =	stream.indirect_vreg.gather [hbm4b:s11+s3], $0x80, v2, vm0, $0xb8;
	[tilespmem:$0x10080] =	vst v63  }
0xd5: {  	s11 =	simm.s32 $0x1080  }
0xd6: {  	[tilespmem:s11], [sflag:$0x1] =	stream.indirect_vreg.gather [hbm4b:s12+s3], $0x80, v2, vm0, $0xb8;
	[tilespmem:$0x10080] =	vst v63  }
0xd7: {  	s12 =	simm.s32 $0x1880  }
0xd8: {  	[tilespmem:s12], [sflag:$0x1] =	stream.indirect_vreg.gather [hbm4b:s13+s3], $0x80, v2, vm0, $0xb8;
	[tilespmem:$0x10080] =	vst v63  }
0xd9: {  	s13 =	simm.s32 $0x2080  }
0xda: {  	[tilespmem:s13], [sflag:$0x1] =	stream.indirect_vreg.gather [hbm4b:s14+s3], $0x80, v2, vm0, $0xb8;
	[tilespmem:$0x10080] =	vst v63  }
0xdb: {  	s14 =	simm.s32 $0x2880  }
0xdc: {  	[tilespmem:s14], [sflag:$0x1] =	stream.indirect_vreg.gather [hbm4b:s15+s3], $0x80, v2, vm0, $0xb8;
	[tilespmem:$0x10080] =	vst v63  }
0xdd: {  	s15 =	simm.s32 $0x3080  }
0xde: {  	[tilespmem:s15], [sflag:$0x1] =	stream.indirect_vreg.gather [hbm4b:s16+s3], $0x80, v2, vm0, $0xb8;
	[tilespmem:$0x10080] =	vst v63  }
0xdf: {  	s16 =	simm.s32 $0x3880  }
0xe0: {  	[tilespmem:s16], [sflag:$0x1] =	stream.indirect_vreg.gather [hbm4b:s17+s3], $0x80, v2, vm0, $0xb8;
	[tilespmem:$0x10080] =	vst v63  }
0xe1: {  	s17 =	simm.s32 $0x4080  }
0xe2: {  	[tilespmem:s17], [sflag:$0x1] =	stream.indirect_vreg.gather [hbm4b:s18+s3], $0x80, v2, vm0, $0xb8;
	[tilespmem:$0x10080] =	vst v63  }
0xe3: {  	s18 =	simm.s32 $0x4880  }
0xe4: {  	[tilespmem:s18], [sflag:$0x1] =	stream.indirect_vreg.gather [hbm4b:s19+s3], $0x80, v2, vm0, $0xb8;
	[tilespmem:$0x10080] =	vst v63  }
0xe5: {  	s19 =	simm.s32 $0x5080  }
0xe6: {  	[tilespmem:s19], [sflag:$0x1] =	stream.indirect_vreg.gather [hbm4b:s20+s3], $0x80, v2, vm0, $0xb8;
	[tilespmem:$0x10080] =	vst v63  }
0xe7: {  	s20 =	simm.s32 $0x5880  }
0xe8: {  	[tilespmem:s20], [sflag:$0x1] =	stream.indirect_vreg.gather [hbm4b:s21+s3], $0x80, v2, vm0, $0xb8;
	[tilespmem:$0x10080] =	vst v63  }
0xe9: {  	s21 =	simm.s32 $0x6080  }
0xea: {  	[tilespmem:s21], [sflag:$0x1] =	stream.indirect_vreg.gather [hbm4b:s22+s3], $0x80, v2, vm0, $0xb8;
	[tilespmem:$0x10080] =	vst v63  }
0xeb: {  	s22 =	simm.s32 $0x6880  }
0xec: {  	[tilespmem:s22], [sflag:$0x1] =	stream.indirect_vreg.gather [hbm4b:s23+s3], $0x80, v2, vm0, $0xb8;
	[tilespmem:$0x10080] =	vst v63  }
0xed: {  	s23 =	simm.s32 $0x7080  }
0xee: {  	[tilespmem:s23], [sflag:$0x1] =	stream.indirect_vreg.gather [hbm4b:s24+s3], $0x80, v2, vm0, $0xb8;
	[tilespmem:$0x10080] =	vst v63  }
0xef: {  	s24 =	simm.s32 $0x7880  }
0xf0: {  	[tilespmem:s24], [sflag:$0x1] =	stream.indirect_vreg.gather [hbm4b:s26+s3], $0x80, v2, vm0, $0xb8;
	[tilespmem:$0x10080] =	vst v63  }
0xf1: {  	s26 =	simm.s32 $0x8080  }
0xf2: {  	[tilespmem:s26], [sflag:$0x1] =	stream.indirect_vreg.gather [hbm4b:s28+s3], $0x80, v2, vm0, $0xb8;
	[tilespmem:$0x10080] =	vst v63  }
0xf3: {  	s28 =	simm.s32 $0x8880  }
0xf4: {  	[tilespmem:s28], [sflag:$0x1] =	stream.indirect_vreg.gather [hbm4b:s29+s3], $0x80, v2, vm0, $0xb8;
	[tilespmem:$0x10080] =	vst v63  }
0xf5: {  	s29 =	simm.s32 $0x9080  }
0xf6: {  	[tilespmem:s29], [sflag:$0x1] =	stream.indirect_vreg.gather [hbm4b:s30+s3], $0x80, v2, vm0, $0xb8;
	[tilespmem:$0x10080] =	vst v63  }
0xf7: {  	s30 =	simm.s32 $0x9880  }
0xf8: {  	[tilespmem:s30], [sflag:$0x1] =	stream.indirect_vreg.gather [hbm4b:s31+s3], $0x80, v2, vm0, $0xb8;
	[tilespmem:$0x10080] =	vst v63  }
0xf9: {  	s0 =	simm.s32 $0xA080;
	s9 =	rddreg [dreg:$0x1b]  }
0xfa: {  	[tilespmem:s0], [sflag:$0x1] =	stream.indirect_vreg.gather [hbm4b:s9+s3], $0x80, v2, vm0, $0xb8;
	[tilespmem:$0x10080] =	vst v63  }
0xfb: {  	s11 =	rddreg [dreg:$0x1c];
	s12 =	simm.s32 $0xA880  }
0xfc: {  	[tilespmem:s12], [sflag:$0x1] =	stream.indirect_vreg.gather [hbm4b:s11+s3], $0x80, v2, vm0, $0xb8;
	[tilespmem:$0x10080] =	vst v63  }
0xfd: {  	s13 =	simm.s32 $0xB080;
	s14 =	rddreg [dreg:$0x1d]  }
0xfe: {  	[tilespmem:s13], [sflag:$0x1] =	stream.indirect_vreg.gather [hbm4b:s14+s3], $0x80, v2, vm0, $0xb8;
	[tilespmem:$0x10080] =	vst v63  }
0xff: {  	s16 =	simm.s32 $0xB880;
	s17 =	rddreg [dreg:$0x1e]  }
0x100: {  	[tilespmem:s16], [sflag:$0x1] =	stream.indirect_vreg.gather [hbm4b:s17+s3], $0x80, v2, vm0, $0xb8;
	[tilespmem:$0x10080] =	vst v63  }
0x101: {  	s18 =	simm.s32 $0xC080;
	s19 =	rddreg [dreg:$0x1f]  }
0x102: {  	[tilespmem:s18], [sflag:$0x1] =	stream.indirect_vreg.gather [hbm4b:s19+s3], $0x80, v2, vm0, $0xb8;
	[tilespmem:$0x10080] =	vst v63  }
0x103: {  	s20 =	simm.s32 $0xC880  }
0x104: {  	[tilespmem:s20], [sflag:$0x1] =	stream.indirect_vreg.gather [hbm4b:s7+s3], $0x80, v2, vm0, $0xb8;
	[tilespmem:$0x10080] =	vst v63  }
0x105: {  	s21 =	simm.s32 $0xD080  }
0x106: {  	[tilespmem:s21], [sflag:$0x1] =	stream.indirect_vreg.gather [hbm4b:s8+s3], $0x80, v2, vm0, $0xb8;
	[tilespmem:$0x10080] =	vst v63  }
0x107: {  	s22 =	simm.s32 $0xD880  }
0x108: {  	[tilespmem:s22], [sflag:$0x1] =	stream.indirect_vreg.gather [hbm4b:s6+s3], $0x80, v2, vm0, $0xb8;
	[tilespmem:$0x10080] =	vst v63  }
0x109: {  	s23 =	simm.s32 $0xE080  }
0x10a: {  	[tilespmem:s23], [sflag:$0x1] =	stream.indirect_vreg.gather [hbm4b:s10+s3], $0x80, v2, vm0, $0xb8;
	[tilespmem:$0x10080] =	vst v63  }
0x10b: {  	s24 =	simm.s32 $0xE880;
	s28 =	sld [smem:$0x7FC]  }
0x10c: {  	[tilespmem:s24], [sflag:$0x1] =	stream.indirect_vreg.gather [hbm4b:s25+s3], $0x80, v2, vm0, $0xb8;
	[tilespmem:$0x10080] =	vst v63  }
0x10d: {  	s26 =	simm.s32 $0xF080  }
0x10e: {  	[tilespmem:s26], [sflag:$0x1] =	stream.indirect_vreg.gather [hbm4b:s28+s3], $0x80, v2, vm0, $0xb8;
	[tilespmem:$0x10080] =	vst v63  }
0x10f: {  	s15 =	sld [smem:$0x7F6];
	s29 =	simm.s32 $0xF880  }
0x110: {  	[tilespmem:s29], [sflag:$0x1] =	stream.indirect_vreg.gather [hbm4b:s4+s3], $0x80, v2, vm0, $0xb8;
	[tilespmem:$0x10080] =	vst v63  }
0x111: {  	_ =	swait.ge [sflag:s2], $0x10000  }
0x112: {  	p0 =	sne.s32 s15, $0x1;
	s31 =	simm.s32 $0x80;
	[sflag:s2] =	ssyncset.done $0x0  }
.Ltmp0:
0x113: {  	s30 =	rddreg [dreg:$0x7];
	[sflag:s2] =	ssyncadd.s32 $0xFFFF0000;
	(pc) =	sbr.rel @p0 .LBB2_1-.Ltmp0, $4  }
0x114: {  	[hbm4b:s30+s3] =	stream.linear.scatter [tilespmem:s31], [sflag:$0x2], $0x10000, $0x38;
	[tilespmem:$0x10080] =	vst v63  }
0x115: {  	_ =	swait.ge [sflag:s5], $0x10000  }
0x116: {  	[sflag:s5] =	ssyncset.done $0x0  }
0x117: {  	s1 =	sadd.s32 $0xFFFFFFFF, s15;
	[sflag:s5] =	ssyncadd.s32 $0xFFFF0000  }
0x118: {  	_ =	sfence.sel $0x180000  }
0x119: {  	[bflag:$0x0] =	sbarrier.arrive $0xFFFF  }
0x11a: {  	_ =	strace $0x9000004A  }
0x11b: {  	s0 =	stileid.u32;
	[bflag:$0x2] =	sbarrier.arrive $0xFFFF  }
0x11c: {  	p0 =	sne.s32 s0, $0x0;
	s0 =	rddreg [dreg:$0x3]  }
0x11d: {  	s0 =	sadd.s32 @!p0 $0x100000, s0  }
0x11e: {  	[sflag:s0] =	ssyncadd.tile.s32 @!p0 $0x1;
	_ =	shalt  }
.Lfunc_end2:
_tile_overlayer_lowered:
.L_overlay_start_2:
0x11f: {  	(tag) =	ssettag $0x2  }
0x120: {  	s0 =	rddreg [dreg:$0x0];
	s2 =	stileid.u32  }
0x121: {  	s1 =	rddreg [dreg:$0x1];
	p0 =	sne.s32 s2, $0x0  }
0x122: {  	s3 =	rddreg [dreg:$0x2];
	[bflag:$0x3] =	sbarrier.arrive $0xFFFF;
	s2 =	simm.s32 @!p0 $0x1C02  }
0x123: {  	[timem:s3], [sflag:s2] =	dma.local @!p0 [hbm:s0], s1  }
0x124: {  	s0 =	simm.s32 @!p0 $0x2  }
0x125: {  	_ =	swait.ge @!p0 [sflag:s0], s1  }
0x126: {  	s1 =	ssub.s32 @!p0 $0x0, s1;
	[sflag:s0] =	ssyncset.done @!p0 $0x0  }
0x127: {  	[sflag:s0] =	ssyncadd.s32 @!p0 s1  }
0x128: {  	[bflag:$0x3] =	sbarrier.arrive $0xFFFF  }
0x129: {  	_ =	shalt  }

// kernel: kernel.7.cloned.1.call-start
scs
__scs_entry_jumppad:
0x0: {  	(pc) =	sbr.rel $0x88, $3  }
0x1: {  	(tag) =	ssettag $0x0;
	lr =	simm.s32 $0x1  }
0x2: {  	[smem:$0x3F98] =	sst lr;
	_ =	strace $0xD0000000  }
0x3: {  	_ = 	snop  }
0x4: {  	_ = 	snop  }
0x5: {  	_ = 	snop  }
0x6: {  	_ = 	snop  }
0x7: {  	_ = 	snop  }
__scs_overlays_trampoline_lowered:
0x8: {  	[smem:$0x3FA7] =	sst s0  }
0x9: {  	[smem:$0x3FA8] =	sst s1  }
0xa: {  	[smem:$0x3FA9] =	sst s2  }
0xb: {  	[smem:$0x3FAA] =	sst s3  }
0xc: {  	[smem:$0x3FAB] =	sst s4  }
0xd: {  	[smem:$0x3FAC] =	sst s5  }
0xe: {  	[smem:$0x3FAD] =	sst s6  }
0xf: {  	[smem:$0x3FAE] =	sst s7  }
0x10: {  	[smem:$0x3FAF] =	sst s8  }
0x11: {  	[smem:$0x3FB0] =	sst s9;
	s0 =	simm.s32 @!p0 $0x0  }
0x12: {  	s1 =	sld [smem:$0x3F96];
	s0 =	simm.s32 @p0 $0x1  }
0x13: {  	[smem:$0x3FB1] =	sst s0;
	s0 =	simm.s32 @!p1 $0x0  }
0x14: {  	s2 =	sld [smem:$0x3F95];
	s0 =	simm.s32 @p1 $0x1  }
0x15: {  	[smem:$0x3FB2] =	sst s0;
	s0 =	simm.s32 @!p2 $0x0  }
0x16: {  	s3 =	sld [smem:$0x3FDB];
	s0 =	simm.s32 @p2 $0x1  }
0x17: {  	s4 =	simm.s32 $0x1BF5;
	[smem:$0x3FB4] =	sst s0  }
0x18: {  	s0 =	sld [smem:$0x3F97];
	_ =	swait.ge [sflag:s4], $0x0  }
0x19: {  	s7 =	sld [smem:$0x3F98]  }
0x1a: {  	s8 =	sadd.s32 $0xFFFFE003, lr  }
0x1b: {  	s9 =	sadd.s32 $0xFFFFFEF7, lr;
	s5 =	simm.s32 $0xFFFFFFFF;
	p2 =	slt.u32 s8, $0xFFFFF086  }
0x1c: {  	p1 =	slt.u32 s9, $0xF7A;
	s5 =	simm.s32 @!p2 $0x0  }
0x1d: {  	s5 =	simm.s32 @p1 $0x1;
	p0 =	seq.s32 s7, s2  }
0x1e: {  	s7 =	smul.u32 @!p0 $0xF7A, s2;
	p2 =	seq.s32 @!p0 s5, $0x0  }
0x1f: {  	s9 =	smul.u32 $0xF7A, s1;
	s8 =	simm.s32 @!p0 $0x1BF5;
	p2 =	por !p2, p0  }
0x20: {  	[sflag:s8] =	ssyncset.s32 @!p0 $0xFFFFF086;
	s6 =	sadd.s32 @!p0 s3, s7;
	s7 =	simm.s32 @!p0 $0x108  }
0x21: {  	s3 =	sadd.s32 s3, s9;
	s6 =	sadd.s32 @!p0 $0x88, s6;
	s7 =	simm.s32 @p2 $0x1082  }
0x22: {  	[simem:s7], [sflag:s8] =	dma.local @!p0 [hbm:s6], $0xF7A  }
0x23: {  	s9 =	sor.u32 $0xD0000000, s2;
	s6 =	simm.s32 $0x108;
	_ =	swait.ge @!p0 [sflag:s8], $0x0  }
0x24: {  	s3 =	sadd.s32 $0x88, s3;
	s6 =	simm.s32 @!p1 $0x1082;
	[sflag:s4] =	ssyncset.s32 $0xFFFFF086  }
0x25: {  	[simem:s6], [sflag:s4] =	dma.local [hbm:s3], $0xF7A  }
0x26: {  	[smem:$0x3F98] =	sst s1;
	(tag) =	ssettag s2;
	_ =	strace s9  }
0x27: {  	s1 =	sld [smem:$0x3FA8]  }
0x28: {  	s2 =	sld [smem:$0x3FA9]  }
0x29: {  	s4 =	sld [smem:$0x3FAB]  }
0x2a: {  	p0 =	seq.s32 s5, $0x0;
	s5 =	sld [smem:$0x3FAC]  }
0x2b: {  	s6 =	sld [smem:$0x3FAD]  }
0x2c: {  	s7 =	sld [smem:$0x3FAE]  }
0x2d: {  	s3 =	simm.s32 $0x108;
	s8 =	sld [smem:$0x3FAF]  }
0x2e: {  	s3 =	simm.s32 @!p0 $0x1082;
	s9 =	sld [smem:$0x3FB0]  }
0x2f: {  	lr =	sadd.s32 s0, s3;
	s0 =	sld [smem:$0x3FA7]  }
0x30: {  	s3 =	sld [smem:$0x3FAA]  }
0x31: {  	[smem:$0x3FB3] =	sst s10  }
0x32: {  	s10 =	sld [smem:$0x3FB1];
	_ =	sdelay $0x3  }
0x33: {  	p0 =	seq.s32 s10, $0x1;
	s10 =	sld [smem:$0x3FB3];
	_ =	sdelay $0x3  }
0x34: {  	[smem:$0x3FB3] =	sst s10  }
0x35: {  	s10 =	sld [smem:$0x3FB2];
	_ =	sdelay $0x3  }
0x36: {  	p1 =	seq.s32 s10, $0x1;
	s10 =	sld [smem:$0x3FB3];
	_ =	sdelay $0x3  }
0x37: {  	[smem:$0x3FB3] =	sst s10  }
0x38: {  	s10 =	sld [smem:$0x3FB4]  }
0x39: {  	_ = 	snop;
	(pc) =	sbr.ind lr, $3  }
0x3a: {  	_ = 	snop  }
0x3b: {  	_ = 	snop  }
0x3c: {  	p2 =	seq.s32 s10, $0x1;
	s10 =	sld [smem:$0x3FB3]  }
0x3d: {  	_ =	shalt  }
0x3e: {  	_ =	shalt  }
0x3f: {  	_ =	shalt  }
0x40: {  	_ =	shalt  }
0x41: {  	_ =	shalt  }
0x42: {  	_ =	shalt  }
0x43: {  	_ =	shalt  }
0x44: {  	_ =	shalt  }
0x45: {  	_ =	shalt  }
0x46: {  	_ =	shalt  }
0x47: {  	_ =	shalt  }
0x48: {  	_ =	shalt  }
0x49: {  	_ =	shalt  }
0x4a: {  	_ =	shalt  }
0x4b: {  	_ =	shalt  }
0x4c: {  	_ =	shalt  }
0x4d: {  	_ =	shalt  }
0x4e: {  	_ =	shalt  }
0x4f: {  	_ =	shalt  }
0x50: {  	_ =	shalt  }
0x51: {  	_ =	shalt  }
0x52: {  	_ =	shalt  }
0x53: {  	_ =	shalt  }
0x54: {  	_ =	shalt  }
0x55: {  	_ =	shalt  }
0x56: {  	_ =	shalt  }
0x57: {  	_ =	shalt  }
0x58: {  	_ =	shalt  }
0x59: {  	_ =	shalt  }
0x5a: {  	_ =	shalt  }
0x5b: {  	_ =	shalt  }
0x5c: {  	_ =	shalt  }
0x5d: {  	_ =	shalt  }
0x5e: {  	_ =	shalt  }
0x5f: {  	_ =	shalt  }
0x60: {  	_ =	shalt  }
0x61: {  	_ =	shalt  }
0x62: {  	_ =	shalt  }
0x63: {  	_ =	shalt  }
0x64: {  	_ =	shalt  }
0x65: {  	_ =	shalt  }
0x66: {  	_ =	shalt  }
0x67: {  	_ =	shalt  }
0x68: {  	_ =	shalt  }
0x69: {  	_ =	shalt  }
0x6a: {  	_ =	shalt  }
0x6b: {  	_ =	shalt  }
0x6c: {  	_ =	shalt  }
0x6d: {  	_ =	shalt  }
0x6e: {  	_ =	shalt  }
0x6f: {  	_ =	shalt  }
0x70: {  	_ =	shalt  }
0x71: {  	_ =	shalt  }
0x72: {  	_ =	shalt  }
0x73: {  	_ =	shalt  }
0x74: {  	_ =	shalt  }
0x75: {  	_ =	shalt  }
0x76: {  	_ =	shalt  }
0x77: {  	_ =	shalt  }
0x78: {  	_ =	shalt  }
0x79: {  	_ =	shalt  }
0x7a: {  	_ =	shalt  }
0x7b: {  	_ =	shalt  }
0x7c: {  	_ =	shalt  }
0x7d: {  	_ =	shalt  }
0x7e: {  	_ =	shalt  }
0x7f: {  	_ =	shalt  }
0x80: {  	_ =	shalt  }
0x81: {  	_ =	shalt  }
0x82: {  	_ =	shalt  }
0x83: {  	_ =	shalt  }
0x84: {  	_ =	shalt  }
0x85: {  	_ =	shalt  }
0x86: {  	_ =	shalt  }
0x87: {  	_ =	shalt  }
.Lfunc_end0:
.L_simem_size_0:
called_computation_lowered:
.L_overlay_start_0:
0x88: {  	s2 =	sld [smem:$0x3FD9]  }
0x89: {  	s3 =	sld [smem:$0x3FFE];
	_ =	sdelay $0x1  }
0x8a: {  	s1 =	srdreg.scid  }
0x8b: {  	s0 =	sand.u32 $0x1, s1  }
0x8c: {  	s14 =	sshll.u32 s0, $0xA;
	s2 =	sadd.s32 s3, s2  }
0x8d: {  	s2 =	sadd.s32 s2, s14  }
0x8e: {  	[smem:$0x3FBF] =	sst s2  }
0x8f: {  	_ = 	snop  }
0x90: {  	s2 =	sld [smem:$0x3FD0];
	_ =	sdelay $0x2  }
0x91: {  	s4 =	simm.s32 $0xB;
	s5 =	simm.s32 $0x10;
	s15 =	sld [smem:$0x3FC7]  }
0x92: {  	[smem:s5], [sflag:s4] =	dma.local [hbm:s2], $0x1  }
0x93: {  	_ =	swait.eq [sflag:s4], $0x1  }
0x94: {  	[sflag:s4] =	ssyncset.done $0x0  }
0x95: {  	[sflag:s4] =	ssyncadd.s32 $0xFFFFFFFF  }
0x96: {  	s16 =	sld [smem:$0x11];
	(tm) =	ssettm $0x1  }
0x97: {  	s17 =	sld [smem:$0x3FFB];
	_ =	sdelay $0x3  }
0x98: {  	_ =	strace s17  }
0x99: {  	s4 =	sld [smem:$0x3FFC];
	_ =	sdelay $0x3  }
0x9a: {  	_ =	strace s4  }
0x9b: {  	s4 =	sld [smem:$0x3FFD];
	_ =	sdelay $0x3  }
0x9c: {  	_ =	strace s4  }
0x9d: {  	_ =	strace $0x8FFFFFFF  }
0x9e: {  	s18 =	sld [smem:$0x3FDB];
	_ =	sdelay $0x1  }
0x9f: {  	s19 =	simm.s32 $_scs_section_size  }
0xa0: {  	s6 =	simm.s32 $_size__tile_overlayer_lowered;
	s7 =	simm.s32 $_tile_overlayer_lowered  }
0xa1: {  	s22 =	simm.s32 $0x1BFF;
	s21 =	sshll.u32 s7, $0x1;
	s4 =	sadd.s32 s19, s18  }
0xa2: {  	s8 =	simm.s32 $0x0;
	s20 =	sshll.u32 s6, $0x1;
	s6 =	sadd.s32 s21, s4  }
0xa3: {  	[timem:s8], [sflag:s22] =	dma.local [hbm:s6], s20  }
0xa4: {  	_ =	swait.ge [sflag:s22], s20  }
0xa5: {  	s5 =	ssub.s32 $0x0, s20;
	[sflag:s22] =	ssyncset.done $0x0  }
0xa6: {  	[sflag:s22] =	ssyncadd.s32 s5;
	_ =	sdelay $0x1  }
0xa7: {  	s23 =	simm.s32 $0x1B8B  }
0xa8: {  	_ =	swait.ge [sflag:s23], $0x1  }
0xa9: {  	[sflag:s23] =	ssyncset.done $0x0  }
0xaa: {  	s25 =	simm.s32 $0x1B8E;
	s24 =	sld [smem:$0x3FFE];
	[sflag:s23] =	ssyncadd.s32 $0xFFFFFFFF  }
0xab: {  	s26 =	simm.s32 $execute0_lowered;
	[smem:$0x3FD2] =	sst s25  }
0xac: {  	s6 =	sshll.u32 s26, $0x1;
	_ =	strace $0x80000046;
	[dreg:$0x1] =	wrdreg $0xFFFFFFFF  }
0xad: {  	s28 =	simm.s32 $_size_execute0_lowered;
	s4 =	sadd.s32 s4, s6;
	[dreg:$0x0] =	wrdreg $0x0  }
0xae: {  	s6 =	sshll.u32 s28, $0x1;
	[dreg:$0x2] =	wrdreg s4  }
0xaf: {  	[dreg:$0x3] =	wrdreg s6  }
0xb0: {  	[dreg:$0x4] =	wrdreg $0xC0  }
0xb1: {  	_ =	task [dreg:s8], $0x5FFFF  }
0xb2: {  	[dreg:$0x1] =	wrdreg $0xFFFFFFFF  }
0xb3: {  	[dreg:$0x0] =	wrdreg $0x60  }
0xb4: {  	[dreg:$0x2] =	wrdreg s15  }
0xb5: {  	[dreg:$0x3] =	wrdreg s24  }
0xb6: {  	[dreg:$0x4] =	wrdreg s16  }
0xb7: {  	[dreg:$0x5] =	wrdreg $0x9  }
0xb8: {  	_ =	task.clear_ibuf [dreg:s8], $0x6FFFF;
	_ =	strace $0x90000046  }
0xb9: {  	s29 =	simm.s32 $0x9;
	_ =	strace $0x80000048  }
0xba: {  	_ =	swait.ge [sflag:s29], $0x1  }
0xbb: {  	[sflag:s29] =	ssyncadd.s32 $0xFFFFFFFF  }
0xbc: {  	_ =	strace $0x90000048  }
0xbd: {  	_ =	sfence  }
0xbe: {  	s30 =	sld [smem:$0x0];
	_ =	sdelay $0x2  }
0xbf: {  	s31 =	sshll.u32 s1, $0xD;
	s1 =	sshrl.u32 s1, $0x2  }
0xc0: {  	s3 =	sand.u32 $0x4000, s31;
	s1 =	sadd.s32 s1, s30  }
0xc1: {  	s0 =	sor.u32 s3, s0;
	s1 =	sshll.u32 s1, $0x11  }
0xc2: {  	s0 =	sor.u32 s1, s0  }
0xc3: {  	s0 =	sadd.s32 $0x8F2B, s0  }
0xc4: {  	[sflag:s0] =	ssyncadd.remote.s32 $0x1  }
0xc5: {  	_ =	sfence.sel $0xFFFF  }
0xc6: {  	[dreg:$0x0] =	wrdreg $0xFFFFFFFF;
	(pc) =	sbr.abs _section_cstart, $3  }
0xc7: {  	[dreg:$0x1] =	wrdreg $0xFFFFFFFF  }
0xc8: {  	_ =	task.clear_ibuf [dreg:s8], $0x2FFFF;
	_ =	strace $0x9FFFFFFF  }
0xc9: {  	(tm) =	ssettm $0x7FFFFFFF  }
tec
execute0_lowered:
.L_overlay_start_1:
0x0: {  	(tag) =	ssettag $0x1  }
0x1: {  	s0 =	srdreg.scid;
	s13 =	rddreg [dreg:$0x0]  }
0x2: {  	s2 =	stileid.u32;
	s14 =	rddreg [dreg:$0x1];
	s1 =	sand.u32 $0x1, s0  }
0x3: {  	s4 =	rddreg [dreg:$0x2];
	s2 =	sshll.u32 s2, $0x4;
	s5 =	sshll.u32 s1, $0x3  }
0x4: {  	s8 =	rddreg [dreg:$0x3];
	s5 =	sor.u32 s5, s2;
	s2 =	simm.s32 $0x0  }
0x5: {  	s15 =	sadd.s32 $0x100, s13;
	[smem:$0x7FF] =	sst s2  }
0x6: {  	s16 =	sadd.s32 $0x200, s13;
	_ =	strace $0x80000047;
	[dreg:$0x5] =	wrdreg s15  }
0x7: {  	s17 =	sadd.s32 $0x300, s13;
	[dreg:$0x6] =	wrdreg s16  }
0x8: {  	s18 =	sadd.s32 $0x400, s13;
	[dreg:$0x7] =	wrdreg s17  }
0x9: {  	s19 =	sadd.s32 $0x500, s13;
	[dreg:$0x8] =	wrdreg s18  }
0xa: {  	s20 =	sadd.s32 $0x600, s13;
	[dreg:$0x9] =	wrdreg s19  }
0xb: {  	s21 =	sadd.s32 $0x700, s13;
	[dreg:$0xa] =	wrdreg s20  }
0xc: {  	s22 =	sadd.s32 $0x800, s13;
	[dreg:$0xb] =	wrdreg s21  }
0xd: {  	s23 =	sadd.s32 $0x900, s13;
	[dreg:$0xc] =	wrdreg s22  }
0xe: {  	s24 =	sadd.s32 $0xA00, s13;
	[dreg:$0xd] =	wrdreg s23  }
0xf: {  	s25 =	sadd.s32 $0xB00, s13;
	[dreg:$0xe] =	wrdreg s24  }
0x10: {  	s26 =	sadd.s32 $0xC00, s13;
	[dreg:$0xf] =	wrdreg s25  }
0x11: {  	s28 =	sadd.s32 $0xD00, s13;
	[dreg:$0x10] =	wrdreg s26  }
0x12: {  	s29 =	sadd.s32 $0xE00, s13;
	[dreg:$0x11] =	wrdreg s28  }
0x13: {  	s30 =	sadd.s32 $0xF00, s13;
	[dreg:$0x12] =	wrdreg s29  }
0x14: {  	s31 =	sadd.s32 $0x1000, s13;
	[dreg:$0x13] =	wrdreg s30  }
0x15: {  	s3 =	sadd.s32 $0x1100, s13;
	[dreg:$0x14] =	wrdreg s31  }
0x16: {  	s7 =	sadd.s32 $0x1300, s13;
	[dreg:$0x15] =	wrdreg s3  }
0x17: {  	s9 =	sadd.s32 $0x1400, s13;
	[dreg:$0x17] =	wrdreg s7  }
0x18: {  	s10 =	sadd.s32 $0x1500, s13;
	[dreg:$0x18] =	wrdreg s9  }
0x19: {  	s11 =	sadd.s32 $0x1600, s13;
	[dreg:$0x19] =	wrdreg s10  }
0x1a: {  	s12 =	sadd.s32 $0x1700, s13;
	s6 =	sshrl.u32 s5, $0x3;
	[dreg:$0x1a] =	wrdreg s11  }
0x1b: {  	s0 =	sadd.s32 s6, s14;
	s6 =	sadd.s32 $0x1200, s13;
	[dreg:$0x1b] =	wrdreg s12  }
0x1c: {  	s14 =	sadd.s32 $0x1800, s13;
	[dreg:$0x16] =	wrdreg s6  }
0x1d: {  	s15 =	sadd.s32 $0x1900, s13;
	[dreg:$0x1c] =	wrdreg s14  }
0x1e: {  	s16 =	sadd.s32 $0x1A00, s13;
	[dreg:$0x1d] =	wrdreg s15  }
0x1f: {  	s17 =	sadd.s32 $0x1B00, s13;
	[dreg:$0x1e] =	wrdreg s16  }
0x20: {  	s18 =	sadd.s32 $0x1C00, s13;
	[dreg:$0x1f] =	wrdreg s17  }
0x21: {  	s19 =	sadd.s32 $0x1D00, s13;
	[smem:$0x7F2] =	sst s18  }
0x22: {  	p0 =	por $0x0, $0x0;
	s20 =	sadd.s32 $0x1E00, s13;
	[smem:$0x7F3] =	sst s19  }
0x23: {  	s5 =	sshll.u32 s5, $0xA;
	s21 =	sadd.s32 $0x1F00, s13;
	[smem:$0x7F4] =	sst s20  }
0x24: {  	s1 =	ssub.s32 $0x2, s1;
	s22 =	sadd.s32 s4, s5;
	[smem:$0x7F5] =	sst s21  }
0x25: {  	s23 =	simm.s32 $0x880;
	s24 =	simm.s32 $0x1080;
	[smem:$0x7F6] =	sst s22  }
0x26: {  	s25 =	sshrl.u32 s1, $0x1;
	s26 =	simm.s32 $0x1880;
	[smem:$0x7F7] =	sst s23  }
0x27: {  	s28 =	simm.s32 $0x2080;
	[smem:$0x7F8] =	sst s24;
	s1 =	ssub.s32 s1, s25  }
0x28: {  	s29 =	simm.s32 $0x2880;
	[smem:$0x7F9] =	sst s26;
	s1 =	smax.u32 s1, $0x1  }
0x29: {  	s4 =	simm.s32 $0x2;
	[smem:$0x7FA] =	sst s28;
	p1 =	sne.s32 s1, $0x1  }
.Ltmp0:
0x2a: {  	s30 =	simm.s32 $0x3080;
	[smem:$0x7FB] =	sst s29;
	(pc) =	sbr.rel @!p1 .LBB2_1-.Ltmp0, $4  }
0x2b: {  	s31 =	simm.s32 $0x3880;
	s11 =	simm.s32 $0xC880;
	[smem:$0x7FC] =	sst s30  }
0x2c: {  	v0 =	vlaneseq.u32;
	s10 =	simm.s32 $0xD080;
	s0 =	sadd.s32 $0x2000, s0;
	[smem:$0x7FD] =	sst s31  }
0x2d: {  	v1 =	vshrl.u32 v0, $0x3;
	s12 =	simm.s32 $0xF080;
	s9 =	simm.s32 $0x1;
	[dreg:$0x4] =	wrdreg s0  }
0x2e: {  	vm0 =	vmmov $0xffff;
	v0 =	vand.u32 $0x7, v0;
	v1 =	vmul.u32 $0x8, v1;
	s14 =	simm.s32 $0xC080;
	s3 =	sadd.s32 $0xFFFFFFFF, s1;
	s0 =	rddreg [dreg:$0x4]  }
0x2f: {  	[tilespmem:s2], [sflag:$0x2] =	stream.linear.gather [hbm4b:s0+s2], $0x8, $0x38;
	[tilespmem:$0x10080] =	vst v63  }
0x30: {  	_ =	swait.ge [sflag:s4], $0x8  }
0x31: {  	[sflag:s4] =	ssyncset.done $0x0  }
0x32: {  	[sflag:s4] =	ssyncadd.s32 $0xFFFFFFF8  }
0x33: {  	v2 =	vld.msk [tilespmem:$0x0], $0xff;
	_ =	sdelay $0x4  }
0x34: {  	v3 =	vshll.u32 v2, $0x6  }
0x35: {  	v2 =	vand.u32 $0x7, v2;
	v3 =	vand.u32 $0xFFFFFE00, v3  }
0x36: {  	v2 =	vor.u32 v2, v3  }
0x37: {  	v2 =	vperm.xlane v2, v0;
	_ =	sdelay $0x1  }
0x38: {  	v2 =	vadd.s32 v1, v2;
	_ =	sdelay $0x2  }
0x39: {  	s8 =	sld [smem:$0x7F8]  }
0x3a: {  	s28 =	simm.s32 $0x80;
	s1 =	sld [smem:$0x7F7]  }
0x3b: {  	[tilespmem:s28], [sflag:$0x1] =	stream.indirect_vreg.gather [hbm4b:s13+s2], $0x80, v2, vm0, $0xb8;
	[tilespmem:$0x10080] =	vst v63  }
0x3c: {  	s0 =	rddreg [dreg:$0x5]  }
0x3d: {  	[tilespmem:s1], [sflag:$0x1] =	stream.indirect_vreg.gather [hbm4b:s0+s2], $0x80, v2, vm0, $0xb8;
	[tilespmem:$0x10080] =	vst v63  }
0x3e: {  	s1 =	sld [smem:$0x7F9]  }
0x3f: {  	s18 =	rddreg [dreg:$0x6]  }
0x40: {  	[tilespmem:s8], [sflag:$0x1] =	stream.indirect_vreg.gather [hbm4b:s18+s2], $0x80, v2, vm0, $0xb8;
	[tilespmem:$0x10080] =	vst v63  }
0x41: {  	[smem:$0x7EF] =	sst s1  }
0x42: {  	s18 =	sld [smem:$0x7EF]  }
0x43: {  	s0 =	rddreg [dreg:$0x8]  }
0x44: {  	s1 =	rddreg [dreg:$0x7]  }
0x45: {  	[tilespmem:s18], [sflag:$0x1] =	stream.indirect_vreg.gather [hbm4b:s1+s2], $0x80, v2, vm0, $0xb8;
	[tilespmem:$0x10080] =	vst v63  }
0x46: {  	s18 =	sld [smem:$0x7FB]  }
0x47: {  	s8 =	sld [smem:$0x7FA]  }
0x48: {  	s1 =	rddreg [dreg:$0x9]  }
0x49: {  	[smem:$0x7F0] =	sst s18  }
0x4a: {  	s18 =	rddreg [dreg:$0xa]  }
0x4b: {  	[smem:$0x7F1] =	sst s18  }
0x4c: {  	s18 =	sld [smem:$0x7F0]  }
0x4d: {  	[tilespmem:s8], [sflag:$0x1] =	stream.indirect_vreg.gather [hbm4b:s0+s2], $0x80, v2, vm0, $0xb8;
	[tilespmem:$0x10080] =	vst v63  }
0x4e: {  	s8 =	sld [smem:$0x7FC]  }
0x4f: {  	[tilespmem:s18], [sflag:$0x1] =	stream.indirect_vreg.gather [hbm4b:s1+s2], $0x80, v2, vm0, $0xb8;
	[tilespmem:$0x10080] =	vst v63  }
0x50: {  	s1 =	sld [smem:$0x7F1]  }
0x51: {  	s0 =	rddreg [dreg:$0xb]  }
0x52: {  	s18 =	sld [smem:$0x7FD]  }
0x53: {  	[tilespmem:s8], [sflag:$0x1] =	stream.indirect_vreg.gather [hbm4b:s1+s2], $0x80, v2, vm0, $0xb8;
	[tilespmem:$0x10080] =	vst v63  }
0x54: {  	s8 =	rddreg [dreg:$0xc]  }
0x55: {  	[tilespmem:s18], [sflag:$0x1] =	stream.indirect_vreg.gather [hbm4b:s0+s2], $0x80, v2, vm0, $0xb8;
	[tilespmem:$0x10080] =	vst v63  }
0x56: {  	s0 =	rddreg [dreg:$0xd];
	s18 =	simm.s32 $0x4080  }
0x57: {  	[tilespmem:s18], [sflag:$0x1] =	stream.indirect_vreg.gather [hbm4b:s8+s2], $0x80, v2, vm0, $0xb8;
	[tilespmem:$0x10080] =	vst v63  }
0x58: {  	s5 =	simm.s32 $0x4880;
	s8 =	rddreg [dreg:$0xe]  }
0x59: {  	[tilespmem:s5], [sflag:$0x1] =	stream.indirect_vreg.gather [hbm4b:s0+s2], $0x80, v2, vm0, $0xb8;
	[tilespmem:$0x10080] =	vst v63  }
0x5a: {  	s31 =	simm.s32 $0x5080;
	s18 =	rddreg [dreg:$0xf]  }
0x5b: {  	[tilespmem:s31], [sflag:$0x1] =	stream.indirect_vreg.gather [hbm4b:s8+s2], $0x80, v2, vm0, $0xb8;
	[tilespmem:$0x10080] =	vst v63  }
0x5c: {  	s6 =	simm.s32 $0x5880;
	s5 =	rddreg [dreg:$0x10]  }
0x5d: {  	[tilespmem:s6], [sflag:$0x1] =	stream.indirect_vreg.gather [hbm4b:s18+s2], $0x80, v2, vm0, $0xb8;
	[tilespmem:$0x10080] =	vst v63  }
0x5e: {  	s29 =	simm.s32 $0x6080;
	s8 =	rddreg [dreg:$0x11]  }
0x5f: {  	[tilespmem:s29], [sflag:$0x1] =	stream.indirect_vreg.gather [hbm4b:s5+s2], $0x80, v2, vm0, $0xb8;
	[tilespmem:$0x10080] =	vst v63  }
0x60: {  	s30 =	simm.s32 $0x6880;
	s18 =	rddreg [dreg:$0x12]  }
0x61: {  	[tilespmem:s30], [sflag:$0x1] =	stream.indirect_vreg.gather [hbm4b:s8+s2], $0x80, v2, vm0, $0xb8;
	[tilespmem:$0x10080] =	vst v63  }
0x62: {  	s26 =	simm.s32 $0x7080;
	s6 =	rddreg [dreg:$0x14]  }
0x63: {  	[tilespmem:s26], [sflag:$0x1] =	stream.indirect_vreg.gather [hbm4b:s18+s2], $0x80, v2, vm0, $0xb8;
	[tilespmem:$0x10080] =	vst v63  }
0x64: {  	s25 =	simm.s32 $0x7880;
	s5 =	rddreg [dreg:$0x13]  }
0x65: {  	[tilespmem:s25], [sflag:$0x1] =	stream.indirect_vreg.gather [hbm4b:s5+s2], $0x80, v2, vm0, $0xb8;
	[tilespmem:$0x10080] =	vst v63  }
0x66: {  	s24 =	simm.s32 $0x8080;
	s8 =	rddreg [dreg:$0x15]  }
0x67: {  	[tilespmem:s24], [sflag:$0x1] =	stream.indirect_vreg.gather [hbm4b:s6+s2], $0x80, v2, vm0, $0xb8;
	[tilespmem:$0x10080] =	vst v63  }
0x68: {  	s23 =	simm.s32 $0x8880;
	s18 =	rddreg [dreg:$0x16]  }
0x69: {  	[tilespmem:s23], [sflag:$0x1] =	stream.indirect_vreg.gather [hbm4b:s8+s2], $0x80, v2, vm0, $0xb8;
	[tilespmem:$0x10080] =	vst v63  }
0x6a: {  	s22 =	simm.s32 $0x9080;
	s26 =	rddreg [dreg:$0x19]  }
0x6b: {  	[tilespmem:s22], [sflag:$0x1] =	stream.indirect_vreg.gather [hbm4b:s18+s2], $0x80, v2, vm0, $0xb8;
	[tilespmem:$0x10080] =	vst v63  }
0x6c: {  	s21 =	simm.s32 $0x9880;
	s24 =	rddreg [dreg:$0x17]  }
0x6d: {  	[tilespmem:s21], [sflag:$0x1] =	stream.indirect_vreg.gather [hbm4b:s24+s2], $0x80, v2, vm0, $0xb8;
	[tilespmem:$0x10080] =	vst v63  }
0x6e: {  	s20 =	simm.s32 $0xA080;
	s25 =	rddreg [dreg:$0x18]  }
0x6f: {  	[tilespmem:s20], [sflag:$0x1] =	stream.indirect_vreg.gather [hbm4b:s25+s2], $0x80, v2, vm0, $0xb8;
	[tilespmem:$0x10080] =	vst v63  }
0x70: {  	s19 =	simm.s32 $0xA880;
	s5 =	rddreg [dreg:$0x1a]  }
0x71: {  	[tilespmem:s19], [sflag:$0x1] =	stream.indirect_vreg.gather [hbm4b:s26+s2], $0x80, v2, vm0, $0xb8;
	[tilespmem:$0x10080] =	vst v63  }
0x72: {  	s17 =	simm.s32 $0xB080;
	s6 =	rddreg [dreg:$0x1b]  }
0x73: {  	[tilespmem:s17], [sflag:$0x1] =	stream.indirect_vreg.gather [hbm4b:s5+s2], $0x80, v2, vm0, $0xb8;
	[tilespmem:$0x10080] =	vst v63  }
0x74: {  	s7 =	simm.s32 $0xB880;
	s8 =	rddreg [dreg:$0x1c]  }
0x75: {  	[tilespmem:s7], [sflag:$0x1] =	stream.indirect_vreg.gather [hbm4b:s6+s2], $0x80, v2, vm0, $0xb8;
	[tilespmem:$0x10080] =	vst v63  }
0x76: {  	s18 =	rddreg [dreg:$0x1e]  }
0x77: {  	[tilespmem:s14], [sflag:$0x1] =	stream.indirect_vreg.gather [hbm4b:s8+s2], $0x80, v2, vm0, $0xb8;
	[tilespmem:$0x10080] =	vst v63  }
0x78: {  	s15 =	simm.s32 $0xD880;
	s17 =	rddreg [dreg:$0x1d]  }
0x79: {  	[tilespmem:s11], [sflag:$0x1] =	stream.indirect_vreg.gather [hbm4b:s17+s2], $0x80, v2, vm0, $0xb8;
	[tilespmem:$0x10080] =	vst v63  }
0x7a: {  	s16 =	simm.s32 $0xE080;
	p1 =	sne.s32 s3, $0x1;
	s20 =	sld [smem:$0x7F2]  }
0x7b: {  	[tilespmem:s10], [sflag:$0x1] =	stream.indirect_vreg.gather [hbm4b:s18+s2], $0x80, v2, vm0, $0xb8;
	[tilespmem:$0x10080] =	vst v63  }
0x7c: {  	p0 =	por $0x1, $0x1;
	s1 =	sadd.s32 $0xFFFFFFFF, s3;
	s19 =	rddreg [dreg:$0x1f]  }
0x7d: {  	[tilespmem:s15], [sflag:$0x1] =	stream.indirect_vreg.gather [hbm4b:s19+s2], $0x80, v2, vm0, $0xb8;
	[tilespmem:$0x10080] =	vst v63  }
0x7e: {  	s31 =	simm.s32 $0x5880;
	s29 =	simm.s32 $0x6880;
	s21 =	sld [smem:$0x7F3]  }
0x7f: {  	[tilespmem:s16], [sflag:$0x1] =	stream.indirect_vreg.gather [hbm4b:s20+s2], $0x80, v2, vm0, $0xb8;
	[tilespmem:$0x10080] =	vst v63  }
0x80: {  	s30 =	simm.s32 $0x6080;
	s23 =	simm.s32 $0xE880;
	s22 =	sld [smem:$0x7F4]  }
0x81: {  	[tilespmem:s23], [sflag:$0x1] =	stream.indirect_vreg.gather [hbm4b:s21+s2], $0x80, v2, vm0, $0xb8;
	[tilespmem:$0x10080] =	vst v63  }
0x82: {  	s24 =	sld [smem:$0x7F5];
	s25 =	simm.s32 $0xF880;
	s5 =	simm.s32 $0x5080  }
0x83: {  	[tilespmem:s12], [sflag:$0x1] =	stream.indirect_vreg.gather [hbm4b:s22+s2], $0x80, v2, vm0, $0xb8;
	[tilespmem:$0x10080] =	vst v63  }
0x84: {  	s17 =	simm.s32 $0xE080;
	s18 =	simm.s32 $0xB080;
	s15 =	simm.s32 $0x80  }
0x85: {  	[tilespmem:s25], [sflag:$0x1] =	stream.indirect_vreg.gather [hbm4b:s24+s2], $0x80, v2, vm0, $0xb8;
	[tilespmem:$0x10080] =	vst v63  }
0x86: {  	s19 =	simm.s32 $0xF880;
	s16 =	simm.s32 $0x4880;
	_ =	swait.ge [sflag:s9], $0x10000  }
0x87: {  	s20 =	simm.s32 $0xA880;
	s23 =	simm.s32 $0x9080;
	s26 =	sld [smem:$0x7F6]  }
.Ltmp1:
0x88: {  	s21 =	simm.s32 $0xA080;
	[sflag:s9] =	ssyncset.done $0x0;
	(pc) =	sbr.rel @!p1 .LBB2_3-.Ltmp1, $4  }
0x89: {  	s22 =	simm.s32 $0x9880;
	s25 =	simm.s32 $0x8080;
	[sflag:s9] =	ssyncadd.s32 $0xFFFF0000  }
0x8a: {  	[hbm4b:s26+s2] =	stream.linear.scatter [tilespmem:s28], [sflag:$0x2], $0x10000, $0x38;
	[tilespmem:$0x10080] =	vst v63  }
0x8b: {  	s24 =	simm.s32 $0x8880;
	s28 =	simm.s32 $0x7080;
	_ =	swait.ge [sflag:s4], $0x10000  }
0x8c: {  	s26 =	simm.s32 $0x7880;
	s0 =	rddreg [dreg:$0x4];
	[sflag:s4] =	ssyncset.done $0x0  }
.LBB2_4:
0x8d: {  	[sflag:s4] =	ssyncadd.s32 $0xFFFF0000  }
0x8e: {  	[tilespmem:s2], [sflag:$0x2] =	stream.linear.gather [hbm4b:s0+s2], $0x8, $0x38;
	[tilespmem:$0x10080] =	vst v63  }
0x8f: {  	_ =	swait.ge [sflag:s4], $0x8  }
0x90: {  	[sflag:s4] =	ssyncset.done $0x0  }
0x91: {  	[sflag:s4] =	ssyncadd.s32 $0xFFFFFFF8  }
0x92: {  	v2 =	vld.msk [tilespmem:$0x0], $0xff;
	_ =	sdelay $0x4  }
0x93: {  	v3 =	vshll.u32 v2, $0x6  }
0x94: {  	v2 =	vand.u32 $0x7, v2;
	v3 =	vand.u32 $0xFFFFFE00, v3  }
0x95: {  	s0 =	sld [smem:$0x7FD];
	v2 =	vor.u32 v2, v3  }
0x96: {  	s3 =	sld [smem:$0x7FC];
	v2 =	vperm.xlane v2, v0  }
0x97: {  	s6 =	sld [smem:$0x7FB]  }
0x98: {  	s7 =	sld [smem:$0x7FA];
	v2 =	vadd.s32 v1, v2  }
0x99: {  	s8 =	sld [smem:$0x7F9]  }
0x9a: {  	s10 =	sld [smem:$0x7F8]  }
0x9b: {  	s11 =	sld [smem:$0x7F7]  }
0x9c: {  	s12 =	rddreg [dreg:$0x5]  }
0x9d: {  	[tilespmem:s15], [sflag:$0x1] =	stream.indirect_vreg.gather [hbm4b:s13+s2], $0x80, v2, vm0, $0xb8;
	[tilespmem:$0x10080] =	vst v63  }
0x9e: {  	s14 =	smov.u32 s13;
	s13 =	rddreg [dreg:$0x6]  }
0x9f: {  	[tilespmem:s11], [sflag:$0x1] =	stream.indirect_vreg.gather [hbm4b:s12+s2], $0x80, v2, vm0, $0xb8;
	[tilespmem:$0x10080] =	vst v63  }
0xa0: {  	s11 =	rddreg [dreg:$0x7]  }
0xa1: {  	[tilespmem:s10], [sflag:$0x1] =	stream.indirect_vreg.gather [hbm4b:s13+s2], $0x80, v2, vm0, $0xb8;
	[tilespmem:$0x10080] =	vst v63  }
0xa2: {  	s10 =	rddreg [dreg:$0x8]  }
0xa3: {  	[tilespmem:s8], [sflag:$0x1] =	stream.indirect_vreg.gather [hbm4b:s11+s2], $0x80, v2, vm0, $0xb8;
	[tilespmem:$0x10080] =	vst v63  }
0xa4: {  	s8 =	rddreg [dreg:$0x9]  }
0xa5: {  	[tilespmem:s7], [sflag:$0x1] =	stream.indirect_vreg.gather [hbm4b:s10+s2], $0x80, v2, vm0, $0xb8;
	[tilespmem:$0x10080] =	vst v63  }
0xa6: {  	s7 =	rddreg [dreg:$0xa]  }
0xa7: {  	[tilespmem:s6], [sflag:$0x1] =	stream.indirect_vreg.gather [hbm4b:s8+s2], $0x80, v2, vm0, $0xb8;
	[tilespmem:$0x10080] =	vst v63  }
0xa8: {  	s8 =	rddreg [dreg:$0xb]  }
0xa9: {  	[tilespmem:s3], [sflag:$0x1] =	stream.indirect_vreg.gather [hbm4b:s7+s2], $0x80, v2, vm0, $0xb8;
	[tilespmem:$0x10080] =	vst v63  }
0xaa: {  	s7 =	rddreg [dreg:$0xc]  }
0xab: {  	[tilespmem:s0], [sflag:$0x1] =	stream.indirect_vreg.gather [hbm4b:s8+s2], $0x80, v2, vm0, $0xb8;
	[tilespmem:$0x10080] =	vst v63  }
0xac: {  	s3 =	sld [smem:$0x7F2];
	s8 =	simm.s32 $0x4080  }
0xad: {  	[tilespmem:s8], [sflag:$0x1] =	stream.indirect_vreg.gather [hbm4b:s7+s2], $0x80, v2, vm0, $0xb8;
	[tilespmem:$0x10080] =	vst v63  }
0xae: {  	s0 =	rddreg [dreg:$0xd]  }
0xaf: {  	[tilespmem:s16], [sflag:$0x1] =	stream.indirect_vreg.gather [hbm4b:s0+s2], $0x80, v2, vm0, $0xb8;
	[tilespmem:$0x10080] =	vst v63  }
0xb0: {  	s7 =	rddreg [dreg:$0xe]  }
0xb1: {  	[tilespmem:s5], [sflag:$0x1] =	stream.indirect_vreg.gather [hbm4b:s7+s2], $0x80, v2, vm0, $0xb8;
	[tilespmem:$0x10080] =	vst v63  }
0xb2: {  	s8 =	rddreg [dreg:$0xf]  }
0xb3: {  	[tilespmem:s31], [sflag:$0x1] =	stream.indirect_vreg.gather [hbm4b:s8+s2], $0x80, v2, vm0, $0xb8;
	[tilespmem:$0x10080] =	vst v63  }
0xb4: {  	s7 =	rddreg [dreg:$0x10]  }
0xb5: {  	[tilespmem:s30], [sflag:$0x1] =	stream.indirect_vreg.gather [hbm4b:s7+s2], $0x80, v2, vm0, $0xb8;
	[tilespmem:$0x10080] =	vst v63  }
0xb6: {  	s8 =	rddreg [dreg:$0x11]  }
0xb7: {  	[tilespmem:s29], [sflag:$0x1] =	stream.indirect_vreg.gather [hbm4b:s8+s2], $0x80, v2, vm0, $0xb8;
	[tilespmem:$0x10080] =	vst v63  }
0xb8: {  	s7 =	rddreg [dreg:$0x12]  }
0xb9: {  	[tilespmem:s28], [sflag:$0x1] =	stream.indirect_vreg.gather [hbm4b:s7+s2], $0x80, v2, vm0, $0xb8;
	[tilespmem:$0x10080] =	vst v63  }
0xba: {  	s8 =	rddreg [dreg:$0x13]  }
0xbb: {  	[tilespmem:s26], [sflag:$0x1] =	stream.indirect_vreg.gather [hbm4b:s8+s2], $0x80, v2, vm0, $0xb8;
	[tilespmem:$0x10080] =	vst v63  }
0xbc: {  	s7 =	rddreg [dreg:$0x14]  }
0xbd: {  	[tilespmem:s25], [sflag:$0x1] =	stream.indirect_vreg.gather [hbm4b:s7+s2], $0x80, v2, vm0, $0xb8;
	[tilespmem:$0x10080] =	vst v63  }
0xbe: {  	s8 =	rddreg [dreg:$0x15]  }
0xbf: {  	[tilespmem:s24], [sflag:$0x1] =	stream.indirect_vreg.gather [hbm4b:s8+s2], $0x80, v2, vm0, $0xb8;
	[tilespmem:$0x10080] =	vst v63  }
0xc0: {  	s7 =	rddreg [dreg:$0x16]  }
0xc1: {  	[tilespmem:s23], [sflag:$0x1] =	stream.indirect_vreg.gather [hbm4b:s7+s2], $0x80, v2, vm0, $0xb8;
	[tilespmem:$0x10080] =	vst v63  }
0xc2: {  	s8 =	rddreg [dreg:$0x17]  }
0xc3: {  	[tilespmem:s22], [sflag:$0x1] =	stream.indirect_vreg.gather [hbm4b:s8+s2], $0x80, v2, vm0, $0xb8;
	[tilespmem:$0x10080] =	vst v63  }
0xc4: {  	s7 =	rddreg [dreg:$0x18]  }
0xc5: {  	[tilespmem:s21], [sflag:$0x1] =	stream.indirect_vreg.gather [hbm4b:s7+s2], $0x80, v2, vm0, $0xb8;
	[tilespmem:$0x10080] =	vst v63  }
0xc6: {  	s8 =	rddreg [dreg:$0x19]  }
0xc7: {  	[tilespmem:s20], [sflag:$0x1] =	stream.indirect_vreg.gather [hbm4b:s8+s2], $0x80, v2, vm0, $0xb8;
	[tilespmem:$0x10080] =	vst v63  }
0xc8: {  	s7 =	rddreg [dreg:$0x1a]  }
0xc9: {  	[tilespmem:s18], [sflag:$0x1] =	stream.indirect_vreg.gather [hbm4b:s7+s2], $0x80, v2, vm0, $0xb8;
	[tilespmem:$0x10080] =	vst v63  }
0xca: {  	s6 =	simm.s32 $0xB880;
	s8 =	rddreg [dreg:$0x1b]  }
0xcb: {  	[tilespmem:s6], [sflag:$0x1] =	stream.indirect_vreg.gather [hbm4b:s8+s2], $0x80, v2, vm0, $0xb8;
	[tilespmem:$0x10080] =	vst v63  }
0xcc: {  	s13 =	smov.u32 s14;
	s14 =	simm.s32 $0xC080;
	s7 =	rddreg [dreg:$0x1c]  }
0xcd: {  	[tilespmem:s14], [sflag:$0x1] =	stream.indirect_vreg.gather [hbm4b:s7+s2], $0x80, v2, vm0, $0xb8;
	[tilespmem:$0x10080] =	vst v63  }
0xce: {  	s11 =	simm.s32 $0xC880;
	s8 =	rddreg [dreg:$0x1d]  }
0xcf: {  	[tilespmem:s11], [sflag:$0x1] =	stream.indirect_vreg.gather [hbm4b:s8+s2], $0x80, v2, vm0, $0xb8;
	[tilespmem:$0x10080] =	vst v63  }
0xd0: {  	s10 =	simm.s32 $0xD080;
	s6 =	rddreg [dreg:$0x1e]  }
0xd1: {  	[tilespmem:s10], [sflag:$0x1] =	stream.indirect_vreg.gather [hbm4b:s6+s2], $0x80, v2, vm0, $0xb8;
	[tilespmem:$0x10080] =	vst v63  }
0xd2: {  	s7 =	rddreg [dreg:$0x1f];
	s8 =	simm.s32 $0xD880  }
0xd3: {  	[tilespmem:s8], [sflag:$0x1] =	stream.indirect_vreg.gather [hbm4b:s7+s2], $0x80, v2, vm0, $0xb8;
	[tilespmem:$0x10080] =	vst v63  }
0xd4: {  	s7 =	sld [smem:$0x7F3]  }
0xd5: {  	[tilespmem:s17], [sflag:$0x1] =	stream.indirect_vreg.gather [hbm4b:s3+s2], $0x80, v2, vm0, $0xb8;
	[tilespmem:$0x10080] =	vst v63  }
0xd6: {  	s8 =	simm.s32 $0xE880;
	s3 =	sld [smem:$0x7F4]  }
0xd7: {  	[tilespmem:s8], [sflag:$0x1] =	stream.indirect_vreg.gather [hbm4b:s7+s2], $0x80, v2, vm0, $0xb8;
	[tilespmem:$0x10080] =	vst v63  }
0xd8: {  	s12 =	simm.s32 $0xF080;
	s7 =	sld [smem:$0x7F5]  }
0xd9: {  	[tilespmem:s12], [sflag:$0x1] =	stream.indirect_vreg.gather [hbm4b:s3+s2], $0x80, v2, vm0, $0xb8;
	[tilespmem:$0x10080] =	vst v63  }
0xda: {  	_ = 	snop  }
0xdb: {  	[tilespmem:s19], [sflag:$0x1] =	stream.indirect_vreg.gather [hbm4b:s7+s2], $0x80, v2, vm0, $0xb8;
	[tilespmem:$0x10080] =	vst v63  }
0xdc: {  	_ =	swait.ge [sflag:s9], $0x10000  }
0xdd: {  	p1 =	sne.s32 s1, $0x1;
	s8 =	sld [smem:$0x7F6]  }
.Ltmp2:
0xde: {  	[sflag:s9] =	ssyncset.done $0x0;
	(pc) =	sbr.rel @p1 .LBB2_4-.Ltmp2, $4  }
0xdf: {  	[sflag:s9] =	ssyncadd.s32 $0xFFFF0000  }
0xe0: {  	[hbm4b:s8+s2] =	stream.linear.scatter [tilespmem:s15], [sflag:$0x2], $0x10000, $0x38;
	[tilespmem:$0x10080] =	vst v63  }
0xe1: {  	_ =	swait.ge [sflag:s4], $0x10000  }
0xe2: {  	s1 =	sadd.s32 $0xFFFFFFFF, s1;
	s0 =	rddreg [dreg:$0x4];
	[sflag:s4] =	ssyncset.done $0x0  }
0xe3: {  	s17 =	simm.s32 $0x4080  }
0xe4: {  	s19 =	simm.s32 $0x4880;
	s5 =	simm.s32 $0x5080;
	s31 =	simm.s32 $0x5880  }
0xe5: {  	s30 =	simm.s32 $0x6080;
	s29 =	simm.s32 $0x6880;
	s28 =	simm.s32 $0x7080  }
0xe6: {  	s26 =	simm.s32 $0x7880;
	s25 =	simm.s32 $0x8080;
	s24 =	simm.s32 $0x8880  }
0xe7: {  	s23 =	simm.s32 $0x9080;
	s22 =	simm.s32 $0x9880;
	s21 =	simm.s32 $0xA080  }
0xe8: {  	s20 =	simm.s32 $0xA880;
	s18 =	simm.s32 $0xB080;
	s16 =	simm.s32 $0xD880  }
0xe9: {  	s7 =	simm.s32 $0xB880;
	s15 =	simm.s32 $0xE880;
	s8 =	rddreg [dreg:$0x3]  }
.LBB2_6:
0xea: {  	[sflag:s4] =	ssyncadd.s32 @p0 $0xFFFF0000  }
0xeb: {  	[tilespmem:s2], [sflag:$0x2] =	stream.linear.gather [hbm4b:s0+s2], $0x8, $0x38;
	[tilespmem:$0x10080] =	vst v63  }
0xec: {  	_ =	swait.ge [sflag:s4], $0x8  }
0xed: {  	[sflag:s4] =	ssyncset.done $0x0  }
0xee: {  	[sflag:s4] =	ssyncadd.s32 $0xFFFFFFF8  }
0xef: {  	v2 =	vld.msk [tilespmem:$0x0], $0xff;
	_ =	sdelay $0x4  }
0xf0: {  	v3 =	vshll.u32 v2, $0x6  }
0xf1: {  	v2 =	vand.u32 $0x7, v2;
	v3 =	vand.u32 $0xFFFFFE00, v3  }
0xf2: {  	v2 =	vor.u32 v2, v3  }
0xf3: {  	v0 =	vperm.xlane v2, v0;
	_ =	sdelay $0x1  }
0xf4: {  	v0 =	vadd.s32 v1, v0;
	_ =	sdelay $0x1  }
0xf5: {  	s6 =	sld [smem:$0x7F7]  }
0xf6: {  	s1 =	rddreg [dreg:$0x5]  }
0xf7: {  	s3 =	simm.s32 $0x80;
	s0 =	sld [smem:$0x7F8]  }
0xf8: {  	[tilespmem:s3], [sflag:$0x1] =	stream.indirect_vreg.gather [hbm4b:s13+s2], $0x80, v0, vm0, $0xb8;
	[tilespmem:$0x10080] =	vst v63  }
0xf9: {  	s3 =	sld [smem:$0x7F9]  }
0xfa: {  	[tilespmem:s6], [sflag:$0x1] =	stream.indirect_vreg.gather [hbm4b:s1+s2], $0x80, v0, vm0, $0xb8;
	[tilespmem:$0x10080] =	vst v63  }
0xfb: {  	s1 =	rddreg [dreg:$0x6]  }
0xfc: {  	s6 =	rddreg [dreg:$0x7]  }
0xfd: {  	[tilespmem:s0], [sflag:$0x1] =	stream.indirect_vreg.gather [hbm4b:s1+s2], $0x80, v0, vm0, $0xb8;
	[tilespmem:$0x10080] =	vst v63  }
0xfe: {  	s0 =	sld [smem:$0x7FA]  }
0xff: {  	s1 =	rddreg [dreg:$0x8]  }
0x100: {  	[tilespmem:s3], [sflag:$0x1] =	stream.indirect_vreg.gather [hbm4b:s6+s2], $0x80, v0, vm0, $0xb8;
	[tilespmem:$0x10080] =	vst v63  }
0x101: {  	s3 =	sld [smem:$0x7FB]  }
0x102: {  	s6 =	rddreg [dreg:$0x9]  }
0x103: {  	[tilespmem:s0], [sflag:$0x1] =	stream.indirect_vreg.gather [hbm4b:s1+s2], $0x80, v0, vm0, $0xb8;
	[tilespmem:$0x10080] =	vst v63  }
0x104: {  	s0 =	sld [smem:$0x7FC]  }
0x105: {  	s1 =	rddreg [dreg:$0xa]  }
0x106: {  	[tilespmem:s3], [sflag:$0x1] =	stream.indirect_vreg.gather [hbm4b:s6+s2], $0x80, v0, vm0, $0xb8;
	[tilespmem:$0x10080] =	vst v63  }
0x107: {  	s3 =	sld [smem:$0x7FD]  }
0x108: {  	s6 =	rddreg [dreg:$0xb]  }
0x109: {  	[tilespmem:s0], [sflag:$0x1] =	stream.indirect_vreg.gather [hbm4b:s1+s2], $0x80, v0, vm0, $0xb8;
	[tilespmem:$0x10080] =	vst v63  }
0x10a: {  	s1 =	rddreg [dreg:$0xc]  }
0x10b: {  	[tilespmem:s3], [sflag:$0x1] =	stream.indirect_vreg.gather [hbm4b:s6+s2], $0x80, v0, vm0, $0xb8;
	[tilespmem:$0x10080] =	vst v63  }
0x10c: {  	s6 =	rddreg [dreg:$0xd]  }
0x10d: {  	[tilespmem:s17], [sflag:$0x1] =	stream.indirect_vreg.gather [hbm4b:s1+s2], $0x80, v0, vm0, $0xb8;
	[tilespmem:$0x10080] =	vst v63  }
0x10e: {  	s3 =	rddreg [dreg:$0xf]  }
0x10f: {  	[tilespmem:s19], [sflag:$0x1] =	stream.indirect_vreg.gather [hbm4b:s6+s2], $0x80, v0, vm0, $0xb8;
	[tilespmem:$0x10080] =	vst v63  }
0x110: {  	s17 =	rddreg [dreg:$0xe]  }
0x111: {  	[tilespmem:s5], [sflag:$0x1] =	stream.indirect_vreg.gather [hbm4b:s17+s2], $0x80, v0, vm0, $0xb8;
	[tilespmem:$0x10080] =	vst v63  }
0x112: {  	s6 =	rddreg [dreg:$0x11]  }
0x113: {  	[tilespmem:s31], [sflag:$0x1] =	stream.indirect_vreg.gather [hbm4b:s3+s2], $0x80, v0, vm0, $0xb8;
	[tilespmem:$0x10080] =	vst v63  }
0x114: {  	s5 =	rddreg [dreg:$0x10]  }
0x115: {  	[tilespmem:s30], [sflag:$0x1] =	stream.indirect_vreg.gather [hbm4b:s5+s2], $0x80, v0, vm0, $0xb8;
	[tilespmem:$0x10080] =	vst v63  }
0x116: {  	s19 =	rddreg [dreg:$0x13]  }
0x117: {  	[tilespmem:s29], [sflag:$0x1] =	stream.indirect_vreg.gather [hbm4b:s6+s2], $0x80, v0, vm0, $0xb8;
	[tilespmem:$0x10080] =	vst v63  }
0x118: {  	s17 =	rddreg [dreg:$0x12]  }
0x119: {  	[tilespmem:s28], [sflag:$0x1] =	stream.indirect_vreg.gather [hbm4b:s17+s2], $0x80, v0, vm0, $0xb8;
	[tilespmem:$0x10080] =	vst v63  }
0x11a: {  	s31 =	rddreg [dreg:$0x17]  }
0x11b: {  	[tilespmem:s26], [sflag:$0x1] =	stream.indirect_vreg.gather [hbm4b:s19+s2], $0x80, v0, vm0, $0xb8;
	[tilespmem:$0x10080] =	vst v63  }
0x11c: {  	s28 =	rddreg [dreg:$0x14]  }
0x11d: {  	[tilespmem:s25], [sflag:$0x1] =	stream.indirect_vreg.gather [hbm4b:s28+s2], $0x80, v0, vm0, $0xb8;
	[tilespmem:$0x10080] =	vst v63  }
0x11e: {  	s29 =	rddreg [dreg:$0x15]  }
0x11f: {  	[tilespmem:s24], [sflag:$0x1] =	stream.indirect_vreg.gather [hbm4b:s29+s2], $0x80, v0, vm0, $0xb8;
	[tilespmem:$0x10080] =	vst v63  }
0x120: {  	s30 =	rddreg [dreg:$0x16]  }
0x121: {  	[tilespmem:s23], [sflag:$0x1] =	stream.indirect_vreg.gather [hbm4b:s30+s2], $0x80, v0, vm0, $0xb8;
	[tilespmem:$0x10080] =	vst v63  }
0x122: {  	s3 =	rddreg [dreg:$0x18]  }
0x123: {  	[tilespmem:s22], [sflag:$0x1] =	stream.indirect_vreg.gather [hbm4b:s31+s2], $0x80, v0, vm0, $0xb8;
	[tilespmem:$0x10080] =	vst v63  }
0x124: {  	s5 =	rddreg [dreg:$0x19]  }
0x125: {  	[tilespmem:s21], [sflag:$0x1] =	stream.indirect_vreg.gather [hbm4b:s3+s2], $0x80, v0, vm0, $0xb8;
	[tilespmem:$0x10080] =	vst v63  }
0x126: {  	s6 =	rddreg [dreg:$0x1a]  }
0x127: {  	[tilespmem:s20], [sflag:$0x1] =	stream.indirect_vreg.gather [hbm4b:s5+s2], $0x80, v0, vm0, $0xb8;
	[tilespmem:$0x10080] =	vst v63  }
0x128: {  	s17 =	rddreg [dreg:$0x1b]  }
0x129: {  	[tilespmem:s18], [sflag:$0x1] =	stream.indirect_vreg.gather [hbm4b:s6+s2], $0x80, v0, vm0, $0xb8;
	[tilespmem:$0x10080] =	vst v63  }
0x12a: {  	s19 =	rddreg [dreg:$0x1c]  }
0x12b: {  	[tilespmem:s7], [sflag:$0x1] =	stream.indirect_vreg.gather [hbm4b:s17+s2], $0x80, v0, vm0, $0xb8;
	[tilespmem:$0x10080] =	vst v63  }
0x12c: {  	s23 =	sld [smem:$0x7F2]  }
0x12d: {  	[tilespmem:s14], [sflag:$0x1] =	stream.indirect_vreg.gather [hbm4b:s19+s2], $0x80, v0, vm0, $0xb8;
	[tilespmem:$0x10080] =	vst v63  }
0x12e: {  	s20 =	rddreg [dreg:$0x1d]  }
0x12f: {  	[tilespmem:s11], [sflag:$0x1] =	stream.indirect_vreg.gather [hbm4b:s20+s2], $0x80, v0, vm0, $0xb8;
	[tilespmem:$0x10080] =	vst v63  }
0x130: {  	s21 =	rddreg [dreg:$0x1e]  }
0x131: {  	[tilespmem:s10], [sflag:$0x1] =	stream.indirect_vreg.gather [hbm4b:s21+s2], $0x80, v0, vm0, $0xb8;
	[tilespmem:$0x10080] =	vst v63  }
0x132: {  	s22 =	rddreg [dreg:$0x1f]  }
0x133: {  	[tilespmem:s16], [sflag:$0x1] =	stream.indirect_vreg.gather [hbm4b:s22+s2], $0x80, v0, vm0, $0xb8;
	[tilespmem:$0x10080] =	vst v63  }
0x134: {  	s25 =	simm.s32 $0xE080;
	s24 =	sld [smem:$0x7F3]  }
0x135: {  	[tilespmem:s25], [sflag:$0x1] =	stream.indirect_vreg.gather [hbm4b:s23+s2], $0x80, v0, vm0, $0xb8;
	[tilespmem:$0x10080] =	vst v63  }
0x136: {  	s26 =	sld [smem:$0x7F4]  }
0x137: {  	[tilespmem:s15], [sflag:$0x1] =	stream.indirect_vreg.gather [hbm4b:s24+s2], $0x80, v0, vm0, $0xb8;
	[tilespmem:$0x10080] =	vst v63  }
0x138: {  	s28 =	sld [smem:$0x7F5]  }
0x139: {  	[tilespmem:s12], [sflag:$0x1] =	stream.indirect_vreg.gather [hbm4b:s26+s2], $0x80, v0, vm0, $0xb8;
	[tilespmem:$0x10080] =	vst v63  }
0x13a: {  	s29 =	simm.s32 $0xF880  }
0x13b: {  	[tilespmem:s29], [sflag:$0x1] =	stream.indirect_vreg.gather [hbm4b:s28+s2], $0x80, v0, vm0, $0xb8;
	[tilespmem:$0x10080] =	vst v63  }
0x13c: {  	_ =	swait.ge [sflag:s9], $0x10000  }
0x13d: {  	s30 =	sld [smem:$0x7F6]  }
0x13e: {  	[sflag:s9] =	ssyncset.done $0x0  }
0x13f: {  	s13 =	simm.s32 $0x80;
	[sflag:s9] =	ssyncadd.s32 $0xFFFF0000  }
0x140: {  	[hbm4b:s30+s2] =	stream.linear.scatter [tilespmem:s13], [sflag:$0x2], $0x10000, $0x38;
	[tilespmem:$0x10080] =	vst v63  }
0x141: {  	_ =	swait.ge [sflag:s4], $0x10000  }
0x142: {  	[sflag:s4] =	ssyncset.done $0x0  }
0x143: {  	[sflag:s4] =	ssyncadd.s32 $0xFFFF0000  }
0x144: {  	_ =	sfence.sel $0x180000  }
0x145: {  	s31 =	stileid.u32;
	[bflag:$0x0] =	sbarrier.arrive $0xFFFF  }
0x146: {  	p0 =	sne.s32 s31, $0x0;
	_ =	strace $0x90000047  }
0x147: {  	s0 =	sadd.s32 @!p0 $0x100000, s8;
	[bflag:$0x2] =	sbarrier.arrive $0xFFFF  }
0x148: {  	[sflag:s0] =	ssyncadd.tile.s32 @!p0 $0x1;
	_ =	shalt  }
.LBB2_1:
0x149: {  	s17 =	simm.s32 $0x4080  }
0x14a: {  	s19 =	simm.s32 $0x4880;
	s5 =	simm.s32 $0x5080;
	s31 =	simm.s32 $0x5880  }
.Ltmp3:
0x14b: {  	s30 =	simm.s32 $0x6080;
	s29 =	simm.s32 $0x6880;
	(pc) =	sbr.rel .LBB2_6-.Ltmp3, $4  }
0x14c: {  	s28 =	simm.s32 $0x7080;
	s26 =	simm.s32 $0x7880;
	s25 =	simm.s32 $0x8080  }
0x14d: {  	s24 =	simm.s32 $0x8880;
	s23 =	simm.s32 $0x9080;
	s22 =	simm.s32 $0x9880  }
0x14e: {  	s21 =	simm.s32 $0xA080;
	s20 =	simm.s32 $0xA880;
	s18 =	simm.s32 $0xB080  }
0x14f: {  	s16 =	simm.s32 $0xD880;
	s7 =	simm.s32 $0xB880;
	s15 =	simm.s32 $0xE880  }
.LBB2_3:
0x150: {  	s17 =	simm.s32 $0x4080;
	s19 =	simm.s32 $0x4880  }
0x151: {  	s5 =	simm.s32 $0x5080;
	s31 =	simm.s32 $0x5880;
	s30 =	simm.s32 $0x6080  }
.Ltmp4:
0x152: {  	s29 =	simm.s32 $0x6880;
	s28 =	simm.s32 $0x7080;
	(pc) =	sbr.rel .LBB2_6-.Ltmp4, $4  }
0x153: {  	s26 =	simm.s32 $0x7880;
	s25 =	simm.s32 $0x8080;
	s24 =	simm.s32 $0x8880  }
0x154: {  	s23 =	simm.s32 $0x9080;
	s22 =	simm.s32 $0x9880;
	s21 =	simm.s32 $0xA080  }
0x155: {  	s20 =	simm.s32 $0xA880;
	s18 =	simm.s32 $0xB080;
	s16 =	simm.s32 $0xD880  }
0x156: {  	s7 =	simm.s32 $0xB880;
	s15 =	simm.s32 $0xE880;
	s8 =	rddreg [dreg:$0x3]  }
.Lfunc_end2:
_tile_overlayer_lowered:
.L_overlay_start_2:
0x157: {  	(tag) =	ssettag $0x2  }
0x158: {  	s0 =	rddreg [dreg:$0x0];
	s2 =	stileid.u32  }
0x159: {  	s1 =	rddreg [dreg:$0x1];
	p0 =	sne.s32 s2, $0x0  }
0x15a: {  	s3 =	rddreg [dreg:$0x2];
	[bflag:$0x3] =	sbarrier.arrive $0xFFFF;
	s2 =	simm.s32 @!p0 $0x1C02  }
0x15b: {  	[timem:s3], [sflag:s2] =	dma.local @!p0 [hbm:s0], s1  }
0x15c: {  	s0 =	simm.s32 @!p0 $0x2  }
0x15d: {  	_ =	swait.ge @!p0 [sflag:s0], s1  }
0x15e: {  	s1 =	ssub.s32 @!p0 $0x0, s1;
	[sflag:s0] =	ssyncset.done @!p0 $0x0  }
0x15f: {  	[sflag:s0] =	ssyncadd.s32 @!p0 s1  }
0x160: {  	[bflag:$0x3] =	sbarrier.arrive $0xFFFF  }
0x161: {  	_ =	shalt  }

</sc_bundles>
